<compile_context>
chip_gen: v7x
topology: tpu7x:2x2x1
jax: 0.10.2.dev20260603
libtpu: 0.0.44.dev20260713+nightly
codegen_flags: <defaults>
</compile_context>

<pallas_src>
import functools

import jax
import jax.numpy as jnp
from jax import lax
from jax.experimental import pallas as pl
from jax.experimental.pallas import tpu as pltpu
from jax.experimental.pallas import tpu_sc as plsc

N_NODES = 10000
D = 128
N_EDGES = 320000

NC = 2
NS = 16
NW = NC * NS
PW = D // 2

E_PER_T = N_EDGES // NW
B = 200
NBK = E_PER_T // B
NBUF = 3


def _mlp_body(x_ref, w1_ref, b1_ref, w2_ref, b2_ref, w_ref):
    h1 = jnp.dot(x_ref[...], w1_ref[...], preferred_element_type=jnp.float32)
    h1 = jnp.maximum(h1 + b1_ref[...], 0.0)
    h2 = jnp.dot(h1, w2_ref[...], preferred_element_type=jnp.float32)
    h2 = h2 + b2_ref[...]
    hb = h2.astype(jnp.bfloat16)
    lo = lax.bitcast_convert_type(hb[:, :PW], jnp.uint16).astype(jnp.uint32)
    hi = lax.bitcast_convert_type(hb[:, PW:], jnp.uint16).astype(jnp.uint32)
    w_ref[...] = lax.bitcast_convert_type(lo | (hi << 16), jnp.float32)


def _mlp_packed(node_feature, W1, b1, W2, b2):
    return pl.pallas_call(
        _mlp_body,
        out_shape=jax.ShapeDtypeStruct((N_NODES, PW), jnp.float32),
    )(node_feature, W1, b1.reshape(1, D), W2, b2.reshape(1, D))


_sc_mesh = plsc.VectorSubcoreMesh(core_axis_name="c", subcore_axis_name="s")


@functools.partial(
    pl.kernel,
    out_type=jax.ShapeDtypeStruct((N_EDGES,), jnp.float32),
    mesh=_sc_mesh,
    scratch_types=[
        pltpu.VMEM((NBUF * B, PW), jnp.float32),
        pltpu.VMEM((NBUF * B, PW), jnp.float32),
        pltpu.VMEM((NBUF * B,), jnp.int32),
        pltpu.VMEM((NBUF * B,), jnp.int32),
        pltpu.VMEM((2 * B,), jnp.float32),
        pltpu.VMEM_SHARED((N_NODES, PW), jnp.float32),
        pltpu.SemaphoreType.DMA,
        pltpu.SemaphoreType.DMA,
        pltpu.SemaphoreType.DMA,
        pltpu.SemaphoreType.DMA,
        pltpu.SemaphoreType.DMA,
    ],
    compiler_params=pltpu.CompilerParams(needs_layout_passes=False,
                                         use_tc_tiling_on_sc=False),
)
def _sc_edge_dot(h_packed, idx_flat, out_hbm,
                 rows0_v, rows1_v, idx0_v, idx1_v, out_v, table_sh,
                 sem_i0, sem_i1, sem_r0, sem_r1, sem_o):
    t = lax.axis_index("s") * NC + lax.axis_index("c")
    s_id = lax.axis_index("s")
    iota16 = lax.iota(jnp.int32, 16)
    last_lane = iota16 == 15
    tbase = t * E_PER_T

    def idx_copies(kb, buf):
        src0 = idx_flat.at[pl.ds(tbase + kb * B, B)]
        src1 = idx_flat.at[pl.ds(N_EDGES + tbase + kb * B, B)]
        d0 = idx0_v.at[pl.ds(buf * B, B)]
        d1 = idx1_v.at[pl.ds(buf * B, B)]
        return ((src0, d0, sem_i0), (src1, d1, sem_i1))

    def row_copies(buf):
        i0 = idx0_v.at[pl.ds(buf * B, B)]
        i1 = idx1_v.at[pl.ds(buf * B, B)]
        return ((h_packed.at[i0], rows0_v.at[pl.ds(buf * B, B)], sem_r0),
                (table_sh.at[i1], rows1_v.at[pl.ds(buf * B, B)], sem_r1))

    for k in range(NBUF):
        for s, d, sem in idx_copies(k, k):
            pltpu.async_copy(s, d, sem)

    bounce = (rows0_v.at[pl.ds(2 * B, 125)], rows1_v.at[pl.ds(2 * B, 125)])
    bsem = (sem_r0, sem_r1)

    def _piece(j):
        return pl.ds(s_id * 625 + j * 125, 125)

    pltpu.async_copy(h_packed.at[_piece(0)], bounce[0], bsem[0])
    for j in range(5):
        w = j % 2
        pltpu.make_async_copy(h_packed.at[_piece(j)], bounce[w],
                              bsem[w]).wait()
        if j + 1 < 5:
            pltpu.async_copy(h_packed.at[_piece(j + 1)], bounce[1 - w],
                             bsem[1 - w])
        pltpu.sync_copy(bounce[w], table_sh.at[_piece(j)])
    plsc.subcore_barrier()

    for k in range(2):
        for s, d, sem in idx_copies(k, k):
            pltpu.make_async_copy(s, d, sem).wait()
        for s, d, sem in row_copies(k):
            pltpu.async_copy(s, d, sem)

    def block_body(kb, _):
        b = lax.rem(kb, NBUF)
        b2 = lax.rem(kb + 2, NBUF)

        @pl.when(kb + 2 < NBK)
        def _start_ahead_rows():
            for s, d, sem in idx_copies(kb + 2, b2):
                pltpu.make_async_copy(s, d, sem).wait()
            for s, d, sem in row_copies(b2):
                pltpu.async_copy(s, d, sem)

        for s, d, sem in row_copies(b):
            pltpu.make_async_copy(s, d, sem).wait()

        @pl.when(kb + NBUF < NBK)
        def _prefetch_idx():
            for s, d, sem in idx_copies(kb + NBUF, b):
                pltpu.async_copy(s, d, sem)

        boff = b * B
        ob = lax.rem(kb, 2)
        ooff = ob * B

        @plsc.parallel_loop(0, B, 1, unroll=4)
        def ebody(e):
            acc = jnp.zeros((16,), jnp.float32)
            for c in range(PW // 16):
                wa = rows0_v[boff + e, pl.ds(c * 16, 16)]
                wb = rows1_v[boff + e, pl.ds(c * 16, 16)]
                m = plsc.bitcast(wa, jnp.bfloat16) * plsc.bitcast(
                    wb, jnp.bfloat16)
                m0, m1 = plsc.unpack(m, format=plsc.PackFormat.INTERLEAVED)
                acc = acc + m0 + m1
            tot = plsc.cumsum(acc)
            plsc.store_scatter(out_v, [jnp.full((16,), ooff + e, jnp.int32)],
                               tot, mask=last_lane)

        @pl.when(kb >= 1)
        def _wait_prev_out():
            pltpu.make_async_copy(out_v.at[pl.ds((1 - ob) * B, B)],
                                  out_hbm.at[pl.ds(tbase, B)], sem_o).wait()
        pltpu.async_copy(out_v.at[pl.ds(ooff, B)],
                         out_hbm.at[pl.ds(tbase + kb * B, B)], sem_o)
        return 0

    lax.fori_loop(0, NBK, block_body, 0)
    pltpu.make_async_copy(out_v.at[pl.ds(lax.rem(NBK - 1, 2) * B, B)],
                          out_hbm.at[pl.ds(tbase, B)], sem_o).wait()


def kernel(node_feature, edge_label_index, edge_label, W1, b1, W2, b2):
    h_packed = _mlp_packed(node_feature, W1, b1, W2, b2)
    pred = _sc_edge_dot(h_packed, edge_label_index.reshape(-1))
    return pred, edge_label

# --- scband reference (transcript-rebuilt; emitter-appended) ---
"""Pipeline reference for scband-large-gnnedge-head-39436389712611 (READ-ONLY COPY).

The authoritative reference and input builder live on the scoring server;
editing this copy changes nothing except your own understanding.
"""

import jax, jax.numpy as jnp
import numpy as np

N_NODES = 10000
D = 128
N_EDGES = 320000


def setup_inputs(seed: int = 0) -> dict:
    key = jax.random.key(seed)
    k1, k2, k3, k4, k5, k6, k7 = jax.random.split(key, 7)
    node_feature = jax.random.normal(k1, (N_NODES, D), dtype=jnp.float32)
    edge_label_index = jax.random.randint(k2, (2, N_EDGES), 0, N_NODES, dtype=jnp.int32)
    edge_label = jax.random.randint(k3, (N_EDGES,), 0, 2, dtype=jnp.int32)
    # MLP params for layer_post_mp (dim_in -> dim_in, num_layers=2, bias=True)
    W1 = jax.random.normal(k4, (D, D), dtype=jnp.float32) * 0.05
    b1 = jnp.zeros((D,), dtype=jnp.float32)
    W2 = jax.random.normal(k5, (D, D), dtype=jnp.float32) * 0.05
    b2 = jnp.zeros((D,), dtype=jnp.float32)
    return {
        "node_feature": node_feature,
        "edge_label_index": edge_label_index,
        "edge_label": edge_label,
        "W1": W1,
        "b1": b1,
        "W2": W2,
        "b2": b2,
    }


def reference(node_feature, edge_label_index, edge_label, W1, b1, W2, b2):
    # cfg.model.edge_decoding == 'dot' path:
    # 1) layer_post_mp applied to node features (MLP dim_in->dim_in, 2 layers)
    h = jax.nn.relu(jnp.dot(node_feature, W1) + b1)
    h = jnp.dot(h, W2) + b2
    # 2) gather node pairs via edge_label_index (num_pred < 500000, single chunk)
    nodes_first = jnp.take(h, edge_label_index[0], axis=0)
    nodes_second = jnp.take(h, edge_label_index[1], axis=0)
    # 3) dot-product decode
    pred = jnp.sum(nodes_first * nodes_second, axis=-1)
    return pred, edge_label

if __name__ == "__main__":
    import jax
    _d = setup_inputs()
    print(jax.jit(kernel)(*tuple(_d.values())))

</pallas_src>

<mosaic_0001>
#map = affine_map<(d0, d1) -> (0, 0)>
#map1 = affine_map<(d0, d1) -> (0)>
module attributes {stable_mosaic.version = 14 : i64} {
  func.func @_sc_edge_dot(%arg0: i32, %arg1: i32, %arg2: memref<10000x64xf32, #tpu.memory_space<hbm>>, %arg3: memref<640000xi32, #tpu.memory_space<hbm>>, %arg4: memref<320000xf32, #tpu.memory_space<hbm>>, %arg5: memref<600x64xf32, #tpu.memory_space<vmem>>, %arg6: memref<600x64xf32, #tpu.memory_space<vmem>>, %arg7: memref<600xi32, #tpu.memory_space<vmem>>, %arg8: memref<600xi32, #tpu.memory_space<vmem>>, %arg9: memref<400xf32, #tpu.memory_space<vmem>>, %arg10: memref<10000x64xf32, #tpu.memory_space<vmem_shared>>, %arg11: memref<!tpu.dma_semaphore, #tpu.memory_space<semaphore_mem>>, %arg12: memref<!tpu.dma_semaphore, #tpu.memory_space<semaphore_mem>>, %arg13: memref<!tpu.dma_semaphore, #tpu.memory_space<semaphore_mem>>, %arg14: memref<!tpu.dma_semaphore, #tpu.memory_space<semaphore_mem>>, %arg15: memref<!tpu.dma_semaphore, #tpu.memory_space<semaphore_mem>>) attributes {dimension_semantics = [#tpu.dimension_semantics<core_parallel>, #tpu.dimension_semantics<subcore_parallel>], iteration_bounds = array<i64: 2, 16>, scalar_prefetch = 0 : i64, scratch_operands = 11 : i64, tpu.core_type = #tpu.core_type<sc_vector_subcore>, window_params = [{transform_indices = #map}, {transform_indices = #map1}, {transform_indices = #map1}]} {
    %mul3A = arith.constant 2 : i32
    %mul3A_0 = arith.muli %arg1, %mul3A : i32
    %add3A = arith.addi %mul3A_0, %arg0 : i32
    %iota3A = tpu.iota {dimensions = array<i32: 0>} : vector<16xi32>
    %eq3A = arith.constant 15 : i32
    %eq3A_1 = vector.broadcast %eq3A : i32 to vector<16xi32>
    %eq3A_2 = arith.cmpi eq, %iota3A, %eq3A_1 : vector<16xi32>
    %mul3A_3 = arith.constant 10000 : i32
    %mul3A_4 = arith.muli %add3A, %mul3A_3 : i32
    %add3A_5 = arith.constant 0 : i32
    %add3A_6 = arith.addi %mul3A_4, %add3A_5 : i32
    %add3A_7 = arith.constant 320000 : i32
    %add3A_8 = arith.addi %add3A_7, %mul3A_4 : i32
    %add3A_9 = arith.constant 0 : i32
    %add3A_10 = arith.addi %add3A_8, %add3A_9 : i32
    %dma_start3A = arith.constant 0 : i32
    %dma_start3A_11 = tpu.memref_slice %arg7[%dma_start3A] : memref<600xi32, #tpu.memory_space<vmem>> -> memref<200xi32, #tpu.memory_space<vmem>>
    %dma_start3A_12 = tpu.memref_slice %arg3[%add3A_6] : memref<640000xi32, #tpu.memory_space<hbm>> -> memref<200xi32, #tpu.memory_space<hbm>>
    %dma_start3A_13 = arith.constant 0 : i32
    %dma_start3A_14 = tpu.memref_slice %arg7[%dma_start3A_13] : memref<600xi32, #tpu.memory_space<vmem>> -> memref<200xi32, #tpu.memory_space<vmem>>
    %dma_start3A_15 = tpu.memref_slice %arg3[%add3A_6] : memref<640000xi32, #tpu.memory_space<hbm>> -> memref<200xi32, #tpu.memory_space<hbm>>
    tpu.enqueue_dma source(%dma_start3A_15 : memref<200xi32, #tpu.memory_space<hbm>>) target(%dma_start3A_14 : memref<200xi32, #tpu.memory_space<vmem>>) target_semaphore(%arg11 : memref<!tpu.dma_semaphore, #tpu.memory_space<semaphore_mem>>)
    %dma_start3A_16 = arith.constant 0 : i32
    %dma_start3A_17 = tpu.memref_slice %arg8[%dma_start3A_16] : memref<600xi32, #tpu.memory_space<vmem>> -> memref<200xi32, #tpu.memory_space<vmem>>
    %dma_start3A_18 = tpu.memref_slice %arg3[%add3A_10] : memref<640000xi32, #tpu.memory_space<hbm>> -> memref<200xi32, #tpu.memory_space<hbm>>
    %dma_start3A_19 = arith.constant 0 : i32
    %dma_start3A_20 = tpu.memref_slice %arg8[%dma_start3A_19] : memref<600xi32, #tpu.memory_space<vmem>> -> memref<200xi32, #tpu.memory_space<vmem>>
    %dma_start3A_21 = tpu.memref_slice %arg3[%add3A_10] : memref<640000xi32, #tpu.memory_space<hbm>> -> memref<200xi32, #tpu.memory_space<hbm>>
    tpu.enqueue_dma source(%dma_start3A_21 : memref<200xi32, #tpu.memory_space<hbm>>) target(%dma_start3A_20 : memref<200xi32, #tpu.memory_space<vmem>>) target_semaphore(%arg12 : memref<!tpu.dma_semaphore, #tpu.memory_space<semaphore_mem>>)
    %add3A_22 = arith.constant 200 : i32
    %add3A_23 = arith.addi %mul3A_4, %add3A_22 : i32
    %add3A_24 = arith.constant 320000 : i32
    %add3A_25 = arith.addi %add3A_24, %mul3A_4 : i32
    %add3A_26 = arith.constant 200 : i32
    %add3A_27 = arith.addi %add3A_25, %add3A_26 : i32
    %dma_start3A_28 = arith.constant 200 : i32
    %dma_start3A_29 = tpu.memref_slice %arg7[%dma_start3A_28] : memref<600xi32, #tpu.memory_space<vmem>> -> memref<200xi32, #tpu.memory_space<vmem>>
    %dma_start3A_30 = tpu.memref_slice %arg3[%add3A_23] : memref<640000xi32, #tpu.memory_space<hbm>> -> memref<200xi32, #tpu.memory_space<hbm>>
    %dma_start3A_31 = arith.constant 200 : i32
    %dma_start3A_32 = tpu.memref_slice %arg7[%dma_start3A_31] : memref<600xi32, #tpu.memory_space<vmem>> -> memref<200xi32, #tpu.memory_space<vmem>>
    %dma_start3A_33 = tpu.memref_slice %arg3[%add3A_23] : memref<640000xi32, #tpu.memory_space<hbm>> -> memref<200xi32, #tpu.memory_space<hbm>>
    tpu.enqueue_dma source(%dma_start3A_33 : memref<200xi32, #tpu.memory_space<hbm>>) target(%dma_start3A_32 : memref<200xi32, #tpu.memory_space<vmem>>) target_semaphore(%arg11 : memref<!tpu.dma_semaphore, #tpu.memory_space<semaphore_mem>>)
    %dma_start3A_34 = arith.constant 200 : i32
    %dma_start3A_35 = tpu.memref_slice %arg8[%dma_start3A_34] : memref<600xi32, #tpu.memory_space<vmem>> -> memref<200xi32, #tpu.memory_space<vmem>>
    %dma_start3A_36 = tpu.memref_slice %arg3[%add3A_27] : memref<640000xi32, #tpu.memory_space<hbm>> -> memref<200xi32, #tpu.memory_space<hbm>>
    %dma_start3A_37 = arith.constant 200 : i32
    %dma_start3A_38 = tpu.memref_slice %arg8[%dma_start3A_37] : memref<600xi32, #tpu.memory_space<vmem>> -> memref<200xi32, #tpu.memory_space<vmem>>
    %dma_start3A_39 = tpu.memref_slice %arg3[%add3A_27] : memref<640000xi32, #tpu.memory_space<hbm>> -> memref<200xi32, #tpu.memory_space<hbm>>
    tpu.enqueue_dma source(%dma_start3A_39 : memref<200xi32, #tpu.memory_space<hbm>>) target(%dma_start3A_38 : memref<200xi32, #tpu.memory_space<vmem>>) target_semaphore(%arg12 : memref<!tpu.dma_semaphore, #tpu.memory_space<semaphore_mem>>)
    %add3A_40 = arith.constant 400 : i32
    %add3A_41 = arith.addi %mul3A_4, %add3A_40 : i32
    %add3A_42 = arith.constant 320000 : i32
    %add3A_43 = arith.addi %add3A_42, %mul3A_4 : i32
    %add3A_44 = arith.constant 400 : i32
    %add3A_45 = arith.addi %add3A_43, %add3A_44 : i32
    %dma_start3A_46 = arith.constant 400 : i32
    %dma_start3A_47 = tpu.memref_slice %arg7[%dma_start3A_46] : memref<600xi32, #tpu.memory_space<vmem>> -> memref<200xi32, #tpu.memory_space<vmem>>
    %dma_start3A_48 = tpu.memref_slice %arg3[%add3A_41] : memref<640000xi32, #tpu.memory_space<hbm>> -> memref<200xi32, #tpu.memory_space<hbm>>
    %dma_start3A_49 = arith.constant 400 : i32
    %dma_start3A_50 = tpu.memref_slice %arg7[%dma_start3A_49] : memref<600xi32, #tpu.memory_space<vmem>> -> memref<200xi32, #tpu.memory_space<vmem>>
    %dma_start3A_51 = tpu.memref_slice %arg3[%add3A_41] : memref<640000xi32, #tpu.memory_space<hbm>> -> memref<200xi32, #tpu.memory_space<hbm>>
    tpu.enqueue_dma source(%dma_start3A_51 : memref<200xi32, #tpu.memory_space<hbm>>) target(%dma_start3A_50 : memref<200xi32, #tpu.memory_space<vmem>>) target_semaphore(%arg11 : memref<!tpu.dma_semaphore, #tpu.memory_space<semaphore_mem>>)
    %dma_start3A_52 = arith.constant 400 : i32
    %dma_start3A_53 = tpu.memref_slice %arg8[%dma_start3A_52] : memref<600xi32, #tpu.memory_space<vmem>> -> memref<200xi32, #tpu.memory_space<vmem>>
    %dma_start3A_54 = tpu.memref_slice %arg3[%add3A_45] : memref<640000xi32, #tpu.memory_space<hbm>> -> memref<200xi32, #tpu.memory_space<hbm>>
    %dma_start3A_55 = arith.constant 400 : i32
    %dma_start3A_56 = tpu.memref_slice %arg8[%dma_start3A_55] : memref<600xi32, #tpu.memory_space<vmem>> -> memref<200xi32, #tpu.memory_space<vmem>>
    %dma_start3A_57 = tpu.memref_slice %arg3[%add3A_45] : memref<640000xi32, #tpu.memory_space<hbm>> -> memref<200xi32, #tpu.memory_space<hbm>>
    tpu.enqueue_dma source(%dma_start3A_57 : memref<200xi32, #tpu.memory_space<hbm>>) target(%dma_start3A_56 : memref<200xi32, #tpu.memory_space<vmem>>) target_semaphore(%arg12 : memref<!tpu.dma_semaphore, #tpu.memory_space<semaphore_mem>>)
    %mul3A_58 = arith.constant 625 : i32
    %mul3A_59 = arith.muli %arg1, %mul3A_58 : i32
    %add3A_60 = arith.constant 0 : i32
    %add3A_61 = arith.addi %mul3A_59, %add3A_60 : i32
    %dma_start3A_62 = arith.constant 400 : i32
    %dma_start3A_63 = arith.constant 0 : i32
    %dma_start3A_64 = tpu.memref_slice %arg5[%dma_start3A_62, %dma_start3A_63] : memref<600x64xf32, #tpu.memory_space<vmem>> -> memref<125x64xf32, #tpu.memory_space<vmem>>
    %dma_start3A_65 = arith.constant 0 : i32
    %dma_start3A_66 = tpu.memref_slice %arg2[%add3A_61, %dma_start3A_65] : memref<10000x64xf32, #tpu.memory_space<hbm>> -> memref<125x64xf32, #tpu.memory_space<hbm>>
    %dma_start3A_67 = arith.constant 400 : i32
    %dma_start3A_68 = arith.constant 0 : i32
    %dma_start3A_69 = tpu.memref_slice %arg5[%dma_start3A_67, %dma_start3A_68] : memref<600x64xf32, #tpu.memory_space<vmem>> -> memref<125x64xf32, #tpu.memory_space<vmem>>
    %dma_start3A_70 = arith.constant 0 : i32
    %dma_start3A_71 = tpu.memref_slice %arg2[%add3A_61, %dma_start3A_70] : memref<10000x64xf32, #tpu.memory_space<hbm>> -> memref<125x64xf32, #tpu.memory_space<hbm>>
    tpu.enqueue_dma source(%dma_start3A_71 : memref<125x64xf32, #tpu.memory_space<hbm>>) target(%dma_start3A_69 : memref<125x64xf32, #tpu.memory_space<vmem>>) target_semaphore(%arg13 : memref<!tpu.dma_semaphore, #tpu.memory_space<semaphore_mem>>)
    %mul3A_72 = arith.constant 625 : i32
    %mul3A_73 = arith.muli %arg1, %mul3A_72 : i32
    %add3A_74 = arith.constant 0 : i32
    %add3A_75 = arith.addi %mul3A_73, %add3A_74 : i32
    %dma_wait3A = arith.constant 400 : i32
    %dma_wait3A_76 = arith.constant 0 : i32
    %dma_wait3A_77 = tpu.memref_slice %arg5[%dma_wait3A, %dma_wait3A_76] : memref<600x64xf32, #tpu.memory_space<vmem>> -> memref<125x64xf32, #tpu.memory_space<vmem>>
    %dma_wait3A_78 = arith.constant 0 : i32
    %dma_wait3A_79 = tpu.memref_slice %arg2[%add3A_75, %dma_wait3A_78] : memref<10000x64xf32, #tpu.memory_space<hbm>> -> memref<125x64xf32, #tpu.memory_space<hbm>>
    %dma_wait3A_80 = arith.constant 400 : i32
    %dma_wait3A_81 = arith.constant 0 : i32
    %dma_wait3A_82 = tpu.memref_slice %arg5[%dma_wait3A_80, %dma_wait3A_81] : memref<600x64xf32, #tpu.memory_space<vmem>> -> memref<125x64xf32, #tpu.memory_space<vmem>>
    %dma_wait3A_83 = arith.constant 0 : i32
    %dma_wait3A_84 = tpu.memref_slice %arg2[%add3A_75, %dma_wait3A_83] : memref<10000x64xf32, #tpu.memory_space<hbm>> -> memref<125x64xf32, #tpu.memory_space<hbm>>
    tpu.wait_dma2 semaphore(%arg13 : memref<!tpu.dma_semaphore, #tpu.memory_space<semaphore_mem>>) src(%dma_wait3A_84 : memref<125x64xf32, #tpu.memory_space<hbm>>) dst(%dma_wait3A_82 : memref<125x64xf32, #tpu.memory_space<vmem>>)
    %mul3A_85 = arith.constant 625 : i32
    %mul3A_86 = arith.muli %arg1, %mul3A_85 : i32
    %add3A_87 = arith.constant 125 : i32
    %add3A_88 = arith.addi %mul3A_86, %add3A_87 : i32
    %dma_start3A_89 = arith.constant 400 : i32
    %dma_start3A_90 = arith.constant 0 : i32
    %dma_start3A_91 = tpu.memref_slice %arg6[%dma_start3A_89, %dma_start3A_90] : memref<600x64xf32, #tpu.memory_space<vmem>> -> memref<125x64xf32, #tpu.memory_space<vmem>>
    %dma_start3A_92 = arith.constant 0 : i32
    %dma_start3A_93 = tpu.memref_slice %arg2[%add3A_88, %dma_start3A_92] : memref<10000x64xf32, #tpu.memory_space<hbm>> -> memref<125x64xf32, #tpu.memory_space<hbm>>
    %dma_start3A_94 = arith.constant 400 : i32
    %dma_start3A_95 = arith.constant 0 : i32
    %dma_start3A_96 = tpu.memref_slice %arg6[%dma_start3A_94, %dma_start3A_95] : memref<600x64xf32, #tpu.memory_space<vmem>> -> memref<125x64xf32, #tpu.memory_space<vmem>>
    %dma_start3A_97 = arith.constant 0 : i32
    %dma_start3A_98 = tpu.memref_slice %arg2[%add3A_88, %dma_start3A_97] : memref<10000x64xf32, #tpu.memory_space<hbm>> -> memref<125x64xf32, #tpu.memory_space<hbm>>
    tpu.enqueue_dma source(%dma_start3A_98 : memref<125x64xf32, #tpu.memory_space<hbm>>) target(%dma_start3A_96 : memref<125x64xf32, #tpu.memory_space<vmem>>) target_semaphore(%arg14 : memref<!tpu.dma_semaphore, #tpu.memory_space<semaphore_mem>>)
    %mul3A_99 = arith.constant 625 : i32
    %mul3A_100 = arith.muli %arg1, %mul3A_99 : i32
    %add3A_101 = arith.constant 0 : i32
    %add3A_102 = arith.addi %mul3A_100, %add3A_101 : i32
    "tpu.region"() ({
      %run_scoped3A = tpu.sem_alloc : memref<!tpu.dma_semaphore, #tpu.memory_space<semaphore_mem>>
      %dma_start3A_299 = arith.constant 400 : i32
      %dma_start3A_300 = arith.constant 0 : i32
      %dma_start3A_301 = tpu.memref_slice %arg5[%dma_start3A_299, %dma_start3A_300] : memref<600x64xf32, #tpu.memory_space<vmem>> -> memref<125x64xf32, #tpu.memory_space<vmem>>
      %dma_start3A_302 = arith.constant 0 : i32
      %dma_start3A_303 = tpu.memref_slice %arg10[%add3A_102, %dma_start3A_302] : memref<10000x64xf32, #tpu.memory_space<vmem_shared>> -> memref<125x64xf32, #tpu.memory_space<vmem_shared>>
      %dma_start3A_304 = arith.constant 0 : i32
      %dma_start3A_305 = tpu.memref_slice %arg10[%add3A_102, %dma_start3A_304] : memref<10000x64xf32, #tpu.memory_space<vmem_shared>> -> memref<125x64xf32, #tpu.memory_space<vmem_shared>>
      %dma_start3A_306 = arith.constant 400 : i32
      %dma_start3A_307 = arith.constant 0 : i32
      %dma_start3A_308 = tpu.memref_slice %arg5[%dma_start3A_306, %dma_start3A_307] : memref<600x64xf32, #tpu.memory_space<vmem>> -> memref<125x64xf32, #tpu.memory_space<vmem>>
      tpu.enqueue_dma source(%dma_start3A_308 : memref<125x64xf32, #tpu.memory_space<vmem>>) target(%dma_start3A_305 : memref<125x64xf32, #tpu.memory_space<vmem_shared>>) target_semaphore(%run_scoped3A : memref<!tpu.dma_semaphore, #tpu.memory_space<semaphore_mem>>)
      %dma_wait3A_309 = arith.constant 400 : i32
      %dma_wait3A_310 = arith.constant 0 : i32
      %dma_wait3A_311 = tpu.memref_slice %arg5[%dma_wait3A_309, %dma_wait3A_310] : memref<600x64xf32, #tpu.memory_space<vmem>> -> memref<125x64xf32, #tpu.memory_space<vmem>>
      %dma_wait3A_312 = arith.constant 0 : i32
      %dma_wait3A_313 = tpu.memref_slice %arg10[%add3A_102, %dma_wait3A_312] : memref<10000x64xf32, #tpu.memory_space<vmem_shared>> -> memref<125x64xf32, #tpu.memory_space<vmem_shared>>
      %dma_wait3A_314 = arith.constant 0 : i32
      %dma_wait3A_315 = tpu.memref_slice %arg10[%add3A_102, %dma_wait3A_314] : memref<10000x64xf32, #tpu.memory_space<vmem_shared>> -> memref<125x64xf32, #tpu.memory_space<vmem_shared>>
      %dma_wait3A_316 = arith.constant 400 : i32
      %dma_wait3A_317 = arith.constant 0 : i32
      %dma_wait3A_318 = tpu.memref_slice %arg5[%dma_wait3A_316, %dma_wait3A_317] : memref<600x64xf32, #tpu.memory_space<vmem>> -> memref<125x64xf32, #tpu.memory_space<vmem>>
      tpu.wait_dma2 semaphore(%run_scoped3A : memref<!tpu.dma_semaphore, #tpu.memory_space<semaphore_mem>>) src(%dma_wait3A_318 : memref<125x64xf32, #tpu.memory_space<vmem>>) dst(%dma_wait3A_315 : memref<125x64xf32, #tpu.memory_space<vmem_shared>>)
      tpu.yield
    }) : () -> ()
    %mul3A_103 = arith.constant 625 : i32
    %mul3A_104 = arith.muli %arg1, %mul3A_103 : i32
    %add3A_105 = arith.constant 125 : i32
    %add3A_106 = arith.addi %mul3A_104, %add3A_105 : i32
    %dma_wait3A_107 = arith.constant 400 : i32
    %dma_wait3A_108 = arith.constant 0 : i32
    %dma_wait3A_109 = tpu.memref_slice %arg6[%dma_wait3A_107, %dma_wait3A_108] : memref<600x64xf32, #tpu.memory_space<vmem>> -> memref<125x64xf32, #tpu.memory_space<vmem>>
    %dma_wait3A_110 = arith.constant 0 : i32
    %dma_wait3A_111 = tpu.memref_slice %arg2[%add3A_106, %dma_wait3A_110] : memref<10000x64xf32, #tpu.memory_space<hbm>> -> memref<125x64xf32, #tpu.memory_space<hbm>>
    %dma_wait3A_112 = arith.constant 400 : i32
    %dma_wait3A_113 = arith.constant 0 : i32
    %dma_wait3A_114 = tpu.memref_slice %arg6[%dma_wait3A_112, %dma_wait3A_113] : memref<600x64xf32, #tpu.memory_space<vmem>> -> memref<125x64xf32, #tpu.memory_space<vmem>>
    %dma_wait3A_115 = arith.constant 0 : i32
    %dma_wait3A_116 = tpu.memref_slice %arg2[%add3A_106, %dma_wait3A_115] : memref<10000x64xf32, #tpu.memory_space<hbm>> -> memref<125x64xf32, #tpu.memory_space<hbm>>
    tpu.wait_dma2 semaphore(%arg14 : memref<!tpu.dma_semaphore, #tpu.memory_space<semaphore_mem>>) src(%dma_wait3A_116 : memref<125x64xf32, #tpu.memory_space<hbm>>) dst(%dma_wait3A_114 : memref<125x64xf32, #tpu.memory_space<vmem>>)
    %mul3A_117 = arith.constant 625 : i32
    %mul3A_118 = arith.muli %arg1, %mul3A_117 : i32
    %add3A_119 = arith.constant 250 : i32
    %add3A_120 = arith.addi %mul3A_118, %add3A_119 : i32
    %dma_start3A_121 = arith.constant 400 : i32
    %dma_start3A_122 = arith.constant 0 : i32
    %dma_start3A_123 = tpu.memref_slice %arg5[%dma_start3A_121, %dma_start3A_122] : memref<600x64xf32, #tpu.memory_space<vmem>> -> memref<125x64xf32, #tpu.memory_space<vmem>>
    %dma_start3A_124 = arith.constant 0 : i32
    %dma_start3A_125 = tpu.memref_slice %arg2[%add3A_120, %dma_start3A_124] : memref<10000x64xf32, #tpu.memory_space<hbm>> -> memref<125x64xf32, #tpu.memory_space<hbm>>
    %dma_start3A_126 = arith.constant 400 : i32
    %dma_start3A_127 = arith.constant 0 : i32
    %dma_start3A_128 = tpu.memref_slice %arg5[%dma_start3A_126, %dma_start3A_127] : memref<600x64xf32, #tpu.memory_space<vmem>> -> memref<125x64xf32, #tpu.memory_space<vmem>>
    %dma_start3A_129 = arith.constant 0 : i32
    %dma_start3A_130 = tpu.memref_slice %arg2[%add3A_120, %dma_start3A_129] : memref<10000x64xf32, #tpu.memory_space<hbm>> -> memref<125x64xf32, #tpu.memory_space<hbm>>
    tpu.enqueue_dma source(%dma_start3A_130 : memref<125x64xf32, #tpu.memory_space<hbm>>) target(%dma_start3A_128 : memref<125x64xf32, #tpu.memory_space<vmem>>) target_semaphore(%arg13 : memref<!tpu.dma_semaphore, #tpu.memory_space<semaphore_mem>>)
    %mul3A_131 = arith.constant 625 : i32
    %mul3A_132 = arith.muli %arg1, %mul3A_131 : i32
    %add3A_133 = arith.constant 125 : i32
    %add3A_134 = arith.addi %mul3A_132, %add3A_133 : i32
    "tpu.region"() ({
      %run_scoped3A = tpu.sem_alloc : memref<!tpu.dma_semaphore, #tpu.memory_space<semaphore_mem>>
      %dma_start3A_299 = arith.constant 400 : i32
      %dma_start3A_300 = arith.constant 0 : i32
      %dma_start3A_301 = tpu.memref_slice %arg6[%dma_start3A_299, %dma_start3A_300] : memref<600x64xf32, #tpu.memory_space<vmem>> -> memref<125x64xf32, #tpu.memory_space<vmem>>
      %dma_start3A_302 = arith.constant 0 : i32
      %dma_start3A_303 = tpu.memref_slice %arg10[%add3A_134, %dma_start3A_302] : memref<10000x64xf32, #tpu.memory_space<vmem_shared>> -> memref<125x64xf32, #tpu.memory_space<vmem_shared>>
      %dma_start3A_304 = arith.constant 0 : i32
      %dma_start3A_305 = tpu.memref_slice %arg10[%add3A_134, %dma_start3A_304] : memref<10000x64xf32, #tpu.memory_space<vmem_shared>> -> memref<125x64xf32, #tpu.memory_space<vmem_shared>>
      %dma_start3A_306 = arith.constant 400 : i32
      %dma_start3A_307 = arith.constant 0 : i32
      %dma_start3A_308 = tpu.memref_slice %arg6[%dma_start3A_306, %dma_start3A_307] : memref<600x64xf32, #tpu.memory_space<vmem>> -> memref<125x64xf32, #tpu.memory_space<vmem>>
      tpu.enqueue_dma source(%dma_start3A_308 : memref<125x64xf32, #tpu.memory_space<vmem>>) target(%dma_start3A_305 : memref<125x64xf32, #tpu.memory_space<vmem_shared>>) target_semaphore(%run_scoped3A : memref<!tpu.dma_semaphore, #tpu.memory_space<semaphore_mem>>)
      %dma_wait3A_309 = arith.constant 400 : i32
      %dma_wait3A_310 = arith.constant 0 : i32
      %dma_wait3A_311 = tpu.memref_slice %arg6[%dma_wait3A_309, %dma_wait3A_310] : memref<600x64xf32, #tpu.memory_space<vmem>> -> memref<125x64xf32, #tpu.memory_space<vmem>>
      %dma_wait3A_312 = arith.constant 0 : i32
      %dma_wait3A_313 = tpu.memref_slice %arg10[%add3A_134, %dma_wait3A_312] : memref<10000x64xf32, #tpu.memory_space<vmem_shared>> -> memref<125x64xf32, #tpu.memory_space<vmem_shared>>
      %dma_wait3A_314 = arith.constant 0 : i32
      %dma_wait3A_315 = tpu.memref_slice %arg10[%add3A_134, %dma_wait3A_314] : memref<10000x64xf32, #tpu.memory_space<vmem_shared>> -> memref<125x64xf32, #tpu.memory_space<vmem_shared>>
      %dma_wait3A_316 = arith.constant 400 : i32
      %dma_wait3A_317 = arith.constant 0 : i32
      %dma_wait3A_318 = tpu.memref_slice %arg6[%dma_wait3A_316, %dma_wait3A_317] : memref<600x64xf32, #tpu.memory_space<vmem>> -> memref<125x64xf32, #tpu.memory_space<vmem>>
      tpu.wait_dma2 semaphore(%run_scoped3A : memref<!tpu.dma_semaphore, #tpu.memory_space<semaphore_mem>>) src(%dma_wait3A_318 : memref<125x64xf32, #tpu.memory_space<vmem>>) dst(%dma_wait3A_315 : memref<125x64xf32, #tpu.memory_space<vmem_shared>>)
      tpu.yield
    }) : () -> ()
    %mul3A_135 = arith.constant 625 : i32
    %mul3A_136 = arith.muli %arg1, %mul3A_135 : i32
    %add3A_137 = arith.constant 250 : i32
    %add3A_138 = arith.addi %mul3A_136, %add3A_137 : i32
    %dma_wait3A_139 = arith.constant 400 : i32
    %dma_wait3A_140 = arith.constant 0 : i32
    %dma_wait3A_141 = tpu.memref_slice %arg5[%dma_wait3A_139, %dma_wait3A_140] : memref<600x64xf32, #tpu.memory_space<vmem>> -> memref<125x64xf32, #tpu.memory_space<vmem>>
    %dma_wait3A_142 = arith.constant 0 : i32
    %dma_wait3A_143 = tpu.memref_slice %arg2[%add3A_138, %dma_wait3A_142] : memref<10000x64xf32, #tpu.memory_space<hbm>> -> memref<125x64xf32, #tpu.memory_space<hbm>>
    %dma_wait3A_144 = arith.constant 400 : i32
    %dma_wait3A_145 = arith.constant 0 : i32
    %dma_wait3A_146 = tpu.memref_slice %arg5[%dma_wait3A_144, %dma_wait3A_145] : memref<600x64xf32, #tpu.memory_space<vmem>> -> memref<125x64xf32, #tpu.memory_space<vmem>>
    %dma_wait3A_147 = arith.constant 0 : i32
    %dma_wait3A_148 = tpu.memref_slice %arg2[%add3A_138, %dma_wait3A_147] : memref<10000x64xf32, #tpu.memory_space<hbm>> -> memref<125x64xf32, #tpu.memory_space<hbm>>
    tpu.wait_dma2 semaphore(%arg13 : memref<!tpu.dma_semaphore, #tpu.memory_space<semaphore_mem>>) src(%dma_wait3A_148 : memref<125x64xf32, #tpu.memory_space<hbm>>) dst(%dma_wait3A_146 : memref<125x64xf32, #tpu.memory_space<vmem>>)
    %mul3A_149 = arith.constant 625 : i32
    %mul3A_150 = arith.muli %arg1, %mul3A_149 : i32
    %add3A_151 = arith.constant 375 : i32
    %add3A_152 = arith.addi %mul3A_150, %add3A_151 : i32
    %dma_start3A_153 = arith.constant 400 : i32
    %dma_start3A_154 = arith.constant 0 : i32
    %dma_start3A_155 = tpu.memref_slice %arg6[%dma_start3A_153, %dma_start3A_154] : memref<600x64xf32, #tpu.memory_space<vmem>> -> memref<125x64xf32, #tpu.memory_space<vmem>>
    %dma_start3A_156 = arith.constant 0 : i32
    %dma_start3A_157 = tpu.memref_slice %arg2[%add3A_152, %dma_start3A_156] : memref<10000x64xf32, #tpu.memory_space<hbm>> -> memref<125x64xf32, #tpu.memory_space<hbm>>
    %dma_start3A_158 = arith.constant 400 : i32
    %dma_start3A_159 = arith.constant 0 : i32
    %dma_start3A_160 = tpu.memref_slice %arg6[%dma_start3A_158, %dma_start3A_159] : memref<600x64xf32, #tpu.memory_space<vmem>> -> memref<125x64xf32, #tpu.memory_space<vmem>>
    %dma_start3A_161 = arith.constant 0 : i32
    %dma_start3A_162 = tpu.memref_slice %arg2[%add3A_152, %dma_start3A_161] : memref<10000x64xf32, #tpu.memory_space<hbm>> -> memref<125x64xf32, #tpu.memory_space<hbm>>
    tpu.enqueue_dma source(%dma_start3A_162 : memref<125x64xf32, #tpu.memory_space<hbm>>) target(%dma_start3A_160 : memref<125x64xf32, #tpu.memory_space<vmem>>) target_semaphore(%arg14 : memref<!tpu.dma_semaphore, #tpu.memory_space<semaphore_mem>>)
    %mul3A_163 = arith.constant 625 : i32
    %mul3A_164 = arith.muli %arg1, %mul3A_163 : i32
    %add3A_165 = arith.constant 250 : i32
    %add3A_166 = arith.addi %mul3A_164, %add3A_165 : i32
    "tpu.region"() ({
      %run_scoped3A = tpu.sem_alloc : memref<!tpu.dma_semaphore, #tpu.memory_space<semaphore_mem>>
      %dma_start3A_299 = arith.constant 400 : i32
      %dma_start3A_300 = arith.constant 0 : i32
      %dma_start3A_301 = tpu.memref_slice %arg5[%dma_start3A_299, %dma_start3A_300] : memref<600x64xf32, #tpu.memory_space<vmem>> -> memref<125x64xf32, #tpu.memory_space<vmem>>
      %dma_start3A_302 = arith.constant 0 : i32
      %dma_start3A_303 = tpu.memref_slice %arg10[%add3A_166, %dma_start3A_302] : memref<10000x64xf32, #tpu.memory_space<vmem_shared>> -> memref<125x64xf32, #tpu.memory_space<vmem_shared>>
      %dma_start3A_304 = arith.constant 0 : i32
      %dma_start3A_305 = tpu.memref_slice %arg10[%add3A_166, %dma_start3A_304] : memref<10000x64xf32, #tpu.memory_space<vmem_shared>> -> memref<125x64xf32, #tpu.memory_space<vmem_shared>>
      %dma_start3A_306 = arith.constant 400 : i32
      %dma_start3A_307 = arith.constant 0 : i32
      %dma_start3A_308 = tpu.memref_slice %arg5[%dma_start3A_306, %dma_start3A_307] : memref<600x64xf32, #tpu.memory_space<vmem>> -> memref<125x64xf32, #tpu.memory_space<vmem>>
      tpu.enqueue_dma source(%dma_start3A_308 : memref<125x64xf32, #tpu.memory_space<vmem>>) target(%dma_start3A_305 : memref<125x64xf32, #tpu.memory_space<vmem_shared>>) target_semaphore(%run_scoped3A : memref<!tpu.dma_semaphore, #tpu.memory_space<semaphore_mem>>)
      %dma_wait3A_309 = arith.constant 400 : i32
      %dma_wait3A_310 = arith.constant 0 : i32
      %dma_wait3A_311 = tpu.memref_slice %arg5[%dma_wait3A_309, %dma_wait3A_310] : memref<600x64xf32, #tpu.memory_space<vmem>> -> memref<125x64xf32, #tpu.memory_space<vmem>>
      %dma_wait3A_312 = arith.constant 0 : i32
      %dma_wait3A_313 = tpu.memref_slice %arg10[%add3A_166, %dma_wait3A_312] : memref<10000x64xf32, #tpu.memory_space<vmem_shared>> -> memref<125x64xf32, #tpu.memory_space<vmem_shared>>
      %dma_wait3A_314 = arith.constant 0 : i32
      %dma_wait3A_315 = tpu.memref_slice %arg10[%add3A_166, %dma_wait3A_314] : memref<10000x64xf32, #tpu.memory_space<vmem_shared>> -> memref<125x64xf32, #tpu.memory_space<vmem_shared>>
      %dma_wait3A_316 = arith.constant 400 : i32
      %dma_wait3A_317 = arith.constant 0 : i32
      %dma_wait3A_318 = tpu.memref_slice %arg5[%dma_wait3A_316, %dma_wait3A_317] : memref<600x64xf32, #tpu.memory_space<vmem>> -> memref<125x64xf32, #tpu.memory_space<vmem>>
      tpu.wait_dma2 semaphore(%run_scoped3A : memref<!tpu.dma_semaphore, #tpu.memory_space<semaphore_mem>>) src(%dma_wait3A_318 : memref<125x64xf32, #tpu.memory_space<vmem>>) dst(%dma_wait3A_315 : memref<125x64xf32, #tpu.memory_space<vmem_shared>>)
      tpu.yield
    }) : () -> ()
    %mul3A_167 = arith.constant 625 : i32
    %mul3A_168 = arith.muli %arg1, %mul3A_167 : i32
    %add3A_169 = arith.constant 375 : i32
    %add3A_170 = arith.addi %mul3A_168, %add3A_169 : i32
    %dma_wait3A_171 = arith.constant 400 : i32
    %dma_wait3A_172 = arith.constant 0 : i32
    %dma_wait3A_173 = tpu.memref_slice %arg6[%dma_wait3A_171, %dma_wait3A_172] : memref<600x64xf32, #tpu.memory_space<vmem>> -> memref<125x64xf32, #tpu.memory_space<vmem>>
    %dma_wait3A_174 = arith.constant 0 : i32
    %dma_wait3A_175 = tpu.memref_slice %arg2[%add3A_170, %dma_wait3A_174] : memref<10000x64xf32, #tpu.memory_space<hbm>> -> memref<125x64xf32, #tpu.memory_space<hbm>>
    %dma_wait3A_176 = arith.constant 400 : i32
    %dma_wait3A_177 = arith.constant 0 : i32
    %dma_wait3A_178 = tpu.memref_slice %arg6[%dma_wait3A_176, %dma_wait3A_177] : memref<600x64xf32, #tpu.memory_space<vmem>> -> memref<125x64xf32, #tpu.memory_space<vmem>>
    %dma_wait3A_179 = arith.constant 0 : i32
    %dma_wait3A_180 = tpu.memref_slice %arg2[%add3A_170, %dma_wait3A_179] : memref<10000x64xf32, #tpu.memory_space<hbm>> -> memref<125x64xf32, #tpu.memory_space<hbm>>
    tpu.wait_dma2 semaphore(%arg14 : memref<!tpu.dma_semaphore, #tpu.memory_space<semaphore_mem>>) src(%dma_wait3A_180 : memref<125x64xf32, #tpu.memory_space<hbm>>) dst(%dma_wait3A_178 : memref<125x64xf32, #tpu.memory_space<vmem>>)
    %mul3A_181 = arith.constant 625 : i32
    %mul3A_182 = arith.muli %arg1, %mul3A_181 : i32
    %add3A_183 = arith.constant 500 : i32
    %add3A_184 = arith.addi %mul3A_182, %add3A_183 : i32
    %dma_start3A_185 = arith.constant 400 : i32
    %dma_start3A_186 = arith.constant 0 : i32
    %dma_start3A_187 = tpu.memref_slice %arg5[%dma_start3A_185, %dma_start3A_186] : memref<600x64xf32, #tpu.memory_space<vmem>> -> memref<125x64xf32, #tpu.memory_space<vmem>>
    %dma_start3A_188 = arith.constant 0 : i32
    %dma_start3A_189 = tpu.memref_slice %arg2[%add3A_184, %dma_start3A_188] : memref<10000x64xf32, #tpu.memory_space<hbm>> -> memref<125x64xf32, #tpu.memory_space<hbm>>
    %dma_start3A_190 = arith.constant 400 : i32
    %dma_start3A_191 = arith.constant 0 : i32
    %dma_start3A_192 = tpu.memref_slice %arg5[%dma_start3A_190, %dma_start3A_191] : memref<600x64xf32, #tpu.memory_space<vmem>> -> memref<125x64xf32, #tpu.memory_space<vmem>>
    %dma_start3A_193 = arith.constant 0 : i32
    %dma_start3A_194 = tpu.memref_slice %arg2[%add3A_184, %dma_start3A_193] : memref<10000x64xf32, #tpu.memory_space<hbm>> -> memref<125x64xf32, #tpu.memory_space<hbm>>
    tpu.enqueue_dma source(%dma_start3A_194 : memref<125x64xf32, #tpu.memory_space<hbm>>) target(%dma_start3A_192 : memref<125x64xf32, #tpu.memory_space<vmem>>) target_semaphore(%arg13 : memref<!tpu.dma_semaphore, #tpu.memory_space<semaphore_mem>>)
    %mul3A_195 = arith.constant 625 : i32
    %mul3A_196 = arith.muli %arg1, %mul3A_195 : i32
    %add3A_197 = arith.constant 375 : i32
    %add3A_198 = arith.addi %mul3A_196, %add3A_197 : i32
    "tpu.region"() ({
      %run_scoped3A = tpu.sem_alloc : memref<!tpu.dma_semaphore, #tpu.memory_space<semaphore_mem>>
      %dma_start3A_299 = arith.constant 400 : i32
      %dma_start3A_300 = arith.constant 0 : i32
      %dma_start3A_301 = tpu.memref_slice %arg6[%dma_start3A_299, %dma_start3A_300] : memref<600x64xf32, #tpu.memory_space<vmem>> -> memref<125x64xf32, #tpu.memory_space<vmem>>
      %dma_start3A_302 = arith.constant 0 : i32
      %dma_start3A_303 = tpu.memref_slice %arg10[%add3A_198, %dma_start3A_302] : memref<10000x64xf32, #tpu.memory_space<vmem_shared>> -> memref<125x64xf32, #tpu.memory_space<vmem_shared>>
      %dma_start3A_304 = arith.constant 0 : i32
      %dma_start3A_305 = tpu.memref_slice %arg10[%add3A_198, %dma_start3A_304] : memref<10000x64xf32, #tpu.memory_space<vmem_shared>> -> memref<125x64xf32, #tpu.memory_space<vmem_shared>>
      %dma_start3A_306 = arith.constant 400 : i32
      %dma_start3A_307 = arith.constant 0 : i32
      %dma_start3A_308 = tpu.memref_slice %arg6[%dma_start3A_306, %dma_start3A_307] : memref<600x64xf32, #tpu.memory_space<vmem>> -> memref<125x64xf32, #tpu.memory_space<vmem>>
      tpu.enqueue_dma source(%dma_start3A_308 : memref<125x64xf32, #tpu.memory_space<vmem>>) target(%dma_start3A_305 : memref<125x64xf32, #tpu.memory_space<vmem_shared>>) target_semaphore(%run_scoped3A : memref<!tpu.dma_semaphore, #tpu.memory_space<semaphore_mem>>)
      %dma_wait3A_309 = arith.constant 400 : i32
      %dma_wait3A_310 = arith.constant 0 : i32
      %dma_wait3A_311 = tpu.memref_slice %arg6[%dma_wait3A_309, %dma_wait3A_310] : memref<600x64xf32, #tpu.memory_space<vmem>> -> memref<125x64xf32, #tpu.memory_space<vmem>>
      %dma_wait3A_312 = arith.constant 0 : i32
      %dma_wait3A_313 = tpu.memref_slice %arg10[%add3A_198, %dma_wait3A_312] : memref<10000x64xf32, #tpu.memory_space<vmem_shared>> -> memref<125x64xf32, #tpu.memory_space<vmem_shared>>
      %dma_wait3A_314 = arith.constant 0 : i32
      %dma_wait3A_315 = tpu.memref_slice %arg10[%add3A_198, %dma_wait3A_314] : memref<10000x64xf32, #tpu.memory_space<vmem_shared>> -> memref<125x64xf32, #tpu.memory_space<vmem_shared>>
      %dma_wait3A_316 = arith.constant 400 : i32
      %dma_wait3A_317 = arith.constant 0 : i32
      %dma_wait3A_318 = tpu.memref_slice %arg6[%dma_wait3A_316, %dma_wait3A_317] : memref<600x64xf32, #tpu.memory_space<vmem>> -> memref<125x64xf32, #tpu.memory_space<vmem>>
      tpu.wait_dma2 semaphore(%run_scoped3A : memref<!tpu.dma_semaphore, #tpu.memory_space<semaphore_mem>>) src(%dma_wait3A_318 : memref<125x64xf32, #tpu.memory_space<vmem>>) dst(%dma_wait3A_315 : memref<125x64xf32, #tpu.memory_space<vmem_shared>>)
      tpu.yield
    }) : () -> ()
    %mul3A_199 = arith.constant 625 : i32
    %mul3A_200 = arith.muli %arg1, %mul3A_199 : i32
    %add3A_201 = arith.constant 500 : i32
    %add3A_202 = arith.addi %mul3A_200, %add3A_201 : i32
    %dma_wait3A_203 = arith.constant 400 : i32
    %dma_wait3A_204 = arith.constant 0 : i32
    %dma_wait3A_205 = tpu.memref_slice %arg5[%dma_wait3A_203, %dma_wait3A_204] : memref<600x64xf32, #tpu.memory_space<vmem>> -> memref<125x64xf32, #tpu.memory_space<vmem>>
    %dma_wait3A_206 = arith.constant 0 : i32
    %dma_wait3A_207 = tpu.memref_slice %arg2[%add3A_202, %dma_wait3A_206] : memref<10000x64xf32, #tpu.memory_space<hbm>> -> memref<125x64xf32, #tpu.memory_space<hbm>>
    %dma_wait3A_208 = arith.constant 400 : i32
    %dma_wait3A_209 = arith.constant 0 : i32
    %dma_wait3A_210 = tpu.memref_slice %arg5[%dma_wait3A_208, %dma_wait3A_209] : memref<600x64xf32, #tpu.memory_space<vmem>> -> memref<125x64xf32, #tpu.memory_space<vmem>>
    %dma_wait3A_211 = arith.constant 0 : i32
    %dma_wait3A_212 = tpu.memref_slice %arg2[%add3A_202, %dma_wait3A_211] : memref<10000x64xf32, #tpu.memory_space<hbm>> -> memref<125x64xf32, #tpu.memory_space<hbm>>
    tpu.wait_dma2 semaphore(%arg13 : memref<!tpu.dma_semaphore, #tpu.memory_space<semaphore_mem>>) src(%dma_wait3A_212 : memref<125x64xf32, #tpu.memory_space<hbm>>) dst(%dma_wait3A_210 : memref<125x64xf32, #tpu.memory_space<vmem>>)
    %mul3A_213 = arith.constant 625 : i32
    %mul3A_214 = arith.muli %arg1, %mul3A_213 : i32
    %add3A_215 = arith.constant 500 : i32
    %add3A_216 = arith.addi %mul3A_214, %add3A_215 : i32
    "tpu.region"() ({
      %run_scoped3A = tpu.sem_alloc : memref<!tpu.dma_semaphore, #tpu.memory_space<semaphore_mem>>
      %dma_start3A_299 = arith.constant 400 : i32
      %dma_start3A_300 = arith.constant 0 : i32
      %dma_start3A_301 = tpu.memref_slice %arg5[%dma_start3A_299, %dma_start3A_300] : memref<600x64xf32, #tpu.memory_space<vmem>> -> memref<125x64xf32, #tpu.memory_space<vmem>>
      %dma_start3A_302 = arith.constant 0 : i32
      %dma_start3A_303 = tpu.memref_slice %arg10[%add3A_216, %dma_start3A_302] : memref<10000x64xf32, #tpu.memory_space<vmem_shared>> -> memref<125x64xf32, #tpu.memory_space<vmem_shared>>
      %dma_start3A_304 = arith.constant 0 : i32
      %dma_start3A_305 = tpu.memref_slice %arg10[%add3A_216, %dma_start3A_304] : memref<10000x64xf32, #tpu.memory_space<vmem_shared>> -> memref<125x64xf32, #tpu.memory_space<vmem_shared>>
      %dma_start3A_306 = arith.constant 400 : i32
      %dma_start3A_307 = arith.constant 0 : i32
      %dma_start3A_308 = tpu.memref_slice %arg5[%dma_start3A_306, %dma_start3A_307] : memref<600x64xf32, #tpu.memory_space<vmem>> -> memref<125x64xf32, #tpu.memory_space<vmem>>
      tpu.enqueue_dma source(%dma_start3A_308 : memref<125x64xf32, #tpu.memory_space<vmem>>) target(%dma_start3A_305 : memref<125x64xf32, #tpu.memory_space<vmem_shared>>) target_semaphore(%run_scoped3A : memref<!tpu.dma_semaphore, #tpu.memory_space<semaphore_mem>>)
      %dma_wait3A_309 = arith.constant 400 : i32
      %dma_wait3A_310 = arith.constant 0 : i32
      %dma_wait3A_311 = tpu.memref_slice %arg5[%dma_wait3A_309, %dma_wait3A_310] : memref<600x64xf32, #tpu.memory_space<vmem>> -> memref<125x64xf32, #tpu.memory_space<vmem>>
      %dma_wait3A_312 = arith.constant 0 : i32
      %dma_wait3A_313 = tpu.memref_slice %arg10[%add3A_216, %dma_wait3A_312] : memref<10000x64xf32, #tpu.memory_space<vmem_shared>> -> memref<125x64xf32, #tpu.memory_space<vmem_shared>>
      %dma_wait3A_314 = arith.constant 0 : i32
      %dma_wait3A_315 = tpu.memref_slice %arg10[%add3A_216, %dma_wait3A_314] : memref<10000x64xf32, #tpu.memory_space<vmem_shared>> -> memref<125x64xf32, #tpu.memory_space<vmem_shared>>
      %dma_wait3A_316 = arith.constant 400 : i32
      %dma_wait3A_317 = arith.constant 0 : i32
      %dma_wait3A_318 = tpu.memref_slice %arg5[%dma_wait3A_316, %dma_wait3A_317] : memref<600x64xf32, #tpu.memory_space<vmem>> -> memref<125x64xf32, #tpu.memory_space<vmem>>
      tpu.wait_dma2 semaphore(%run_scoped3A : memref<!tpu.dma_semaphore, #tpu.memory_space<semaphore_mem>>) src(%dma_wait3A_318 : memref<125x64xf32, #tpu.memory_space<vmem>>) dst(%dma_wait3A_315 : memref<125x64xf32, #tpu.memory_space<vmem_shared>>)
      tpu.yield
    }) : () -> ()
    %barrier3A = arith.constant 0 : index
    tpu.barrier barrier_id(%barrier3A)
    %add3A_217 = arith.constant 0 : i32
    %add3A_218 = arith.addi %mul3A_4, %add3A_217 : i32
    %add3A_219 = arith.constant 320000 : i32
    %add3A_220 = arith.addi %add3A_219, %mul3A_4 : i32
    %add3A_221 = arith.constant 0 : i32
    %add3A_222 = arith.addi %add3A_220, %add3A_221 : i32
    %dma_wait3A_223 = arith.constant 0 : i32
    %dma_wait3A_224 = tpu.memref_slice %arg7[%dma_wait3A_223] : memref<600xi32, #tpu.memory_space<vmem>> -> memref<200xi32, #tpu.memory_space<vmem>>
    %dma_wait3A_225 = tpu.memref_slice %arg3[%add3A_218] : memref<640000xi32, #tpu.memory_space<hbm>> -> memref<200xi32, #tpu.memory_space<hbm>>
    %dma_wait3A_226 = arith.constant 0 : i32
    %dma_wait3A_227 = tpu.memref_slice %arg7[%dma_wait3A_226] : memref<600xi32, #tpu.memory_space<vmem>> -> memref<200xi32, #tpu.memory_space<vmem>>
    %dma_wait3A_228 = tpu.memref_slice %arg3[%add3A_218] : memref<640000xi32, #tpu.memory_space<hbm>> -> memref<200xi32, #tpu.memory_space<hbm>>
    tpu.wait_dma2 semaphore(%arg11 : memref<!tpu.dma_semaphore, #tpu.memory_space<semaphore_mem>>) src(%dma_wait3A_228 : memref<200xi32, #tpu.memory_space<hbm>>) dst(%dma_wait3A_227 : memref<200xi32, #tpu.memory_space<vmem>>)
    %dma_wait3A_229 = arith.constant 0 : i32
    %dma_wait3A_230 = tpu.memref_slice %arg8[%dma_wait3A_229] : memref<600xi32, #tpu.memory_space<vmem>> -> memref<200xi32, #tpu.memory_space<vmem>>
    %dma_wait3A_231 = tpu.memref_slice %arg3[%add3A_222] : memref<640000xi32, #tpu.memory_space<hbm>> -> memref<200xi32, #tpu.memory_space<hbm>>
    %dma_wait3A_232 = arith.constant 0 : i32
    %dma_wait3A_233 = tpu.memref_slice %arg8[%dma_wait3A_232] : memref<600xi32, #tpu.memory_space<vmem>> -> memref<200xi32, #tpu.memory_space<vmem>>
    %dma_wait3A_234 = tpu.memref_slice %arg3[%add3A_222] : memref<640000xi32, #tpu.memory_space<hbm>> -> memref<200xi32, #tpu.memory_space<hbm>>
    tpu.wait_dma2 semaphore(%arg12 : memref<!tpu.dma_semaphore, #tpu.memory_space<semaphore_mem>>) src(%dma_wait3A_234 : memref<200xi32, #tpu.memory_space<hbm>>) dst(%dma_wait3A_233 : memref<200xi32, #tpu.memory_space<vmem>>)
    %dma_start3A_235 = arith.constant 0 : i32
    %dma_start3A_236 = arith.constant 0 : i32
    %dma_start3A_237 = tpu.memref_slice %arg5[%dma_start3A_235, %dma_start3A_236] : memref<600x64xf32, #tpu.memory_space<vmem>> -> memref<200x64xf32, #tpu.memory_space<vmem>>
    %dma_start3A_238 = arith.constant 0 : i32
    %dma_start3A_239 = tpu.memref_slice %arg7[%dma_start3A_238] : memref<600xi32, #tpu.memory_space<vmem>> -> memref<200xi32, #tpu.memory_space<vmem>>
    %dma_start3A_240 = arith.constant 0 : i32
    %dma_start3A_241 = arith.constant 0 : i32
    %dma_start3A_242 = tpu.memref_slice %arg2[%dma_start3A_240, %dma_start3A_241] : memref<10000x64xf32, #tpu.memory_space<hbm>> -> memref<10000x64xf32, #tpu.memory_space<hbm>>
    tpu.enqueue_indirect_dma source(%dma_start3A_242 : memref<10000x64xf32, #tpu.memory_space<hbm>>) target(%dma_start3A_237 : memref<200x64xf32, #tpu.memory_space<vmem>>) offsets(%dma_start3A_239 : memref<200xi32, #tpu.memory_space<vmem>>) semaphore(%arg13 : memref<!tpu.dma_semaphore, #tpu.memory_space<semaphore_mem>>)
    %dma_start3A_243 = arith.constant 0 : i32
    %dma_start3A_244 = arith.constant 0 : i32
    %dma_start3A_245 = tpu.memref_slice %arg6[%dma_start3A_243, %dma_start3A_244] : memref<600x64xf32, #tpu.memory_space<vmem>> -> memref<200x64xf32, #tpu.memory_space<vmem>>
    %dma_start3A_246 = arith.constant 0 : i32
    %dma_start3A_247 = tpu.memref_slice %arg8[%dma_start3A_246] : memref<600xi32, #tpu.memory_space<vmem>> -> memref<200xi32, #tpu.memory_space<vmem>>
    %dma_start3A_248 = arith.constant 0 : i32
    %dma_start3A_249 = arith.constant 0 : i32
    %dma_start3A_250 = tpu.memref_slice %arg10[%dma_start3A_248, %dma_start3A_249] : memref<10000x64xf32, #tpu.memory_space<vmem_shared>> -> memref<10000x64xf32, #tpu.memory_space<vmem_shared>>
    tpu.enqueue_indirect_dma source(%dma_start3A_250 : memref<10000x64xf32, #tpu.memory_space<vmem_shared>>) target(%dma_start3A_245 : memref<200x64xf32, #tpu.memory_space<vmem>>) offsets(%dma_start3A_247 : memref<200xi32, #tpu.memory_space<vmem>>) semaphore(%arg14 : memref<!tpu.dma_semaphore, #tpu.memory_space<semaphore_mem>>)
    %add3A_251 = arith.constant 200 : i32
    %add3A_252 = arith.addi %mul3A_4, %add3A_251 : i32
    %add3A_253 = arith.constant 320000 : i32
    %add3A_254 = arith.addi %add3A_253, %mul3A_4 : i32
    %add3A_255 = arith.constant 200 : i32
    %add3A_256 = arith.addi %add3A_254, %add3A_255 : i32
    %dma_wait3A_257 = arith.constant 200 : i32
    %dma_wait3A_258 = tpu.memref_slice %arg7[%dma_wait3A_257] : memref<600xi32, #tpu.memory_space<vmem>> -> memref<200xi32, #tpu.memory_space<vmem>>
    %dma_wait3A_259 = tpu.memref_slice %arg3[%add3A_252] : memref<640000xi32, #tpu.memory_space<hbm>> -> memref<200xi32, #tpu.memory_space<hbm>>
    %dma_wait3A_260 = arith.constant 200 : i32
    %dma_wait3A_261 = tpu.memref_slice %arg7[%dma_wait3A_260] : memref<600xi32, #tpu.memory_space<vmem>> -> memref<200xi32, #tpu.memory_space<vmem>>
    %dma_wait3A_262 = tpu.memref_slice %arg3[%add3A_252] : memref<640000xi32, #tpu.memory_space<hbm>> -> memref<200xi32, #tpu.memory_space<hbm>>
    tpu.wait_dma2 semaphore(%arg11 : memref<!tpu.dma_semaphore, #tpu.memory_space<semaphore_mem>>) src(%dma_wait3A_262 : memref<200xi32, #tpu.memory_space<hbm>>) dst(%dma_wait3A_261 : memref<200xi32, #tpu.memory_space<vmem>>)
    %dma_wait3A_263 = arith.constant 200 : i32
    %dma_wait3A_264 = tpu.memref_slice %arg8[%dma_wait3A_263] : memref<600xi32, #tpu.memory_space<vmem>> -> memref<200xi32, #tpu.memory_space<vmem>>
    %dma_wait3A_265 = tpu.memref_slice %arg3[%add3A_256] : memref<640000xi32, #tpu.memory_space<hbm>> -> memref<200xi32, #tpu.memory_space<hbm>>
    %dma_wait3A_266 = arith.constant 200 : i32
    %dma_wait3A_267 = tpu.memref_slice %arg8[%dma_wait3A_266] : memref<600xi32, #tpu.memory_space<vmem>> -> memref<200xi32, #tpu.memory_space<vmem>>
    %dma_wait3A_268 = tpu.memref_slice %arg3[%add3A_256] : memref<640000xi32, #tpu.memory_space<hbm>> -> memref<200xi32, #tpu.memory_space<hbm>>
    tpu.wait_dma2 semaphore(%arg12 : memref<!tpu.dma_semaphore, #tpu.memory_space<semaphore_mem>>) src(%dma_wait3A_268 : memref<200xi32, #tpu.memory_space<hbm>>) dst(%dma_wait3A_267 : memref<200xi32, #tpu.memory_space<vmem>>)
    %dma_start3A_269 = arith.constant 200 : i32
    %dma_start3A_270 = arith.constant 0 : i32
    %dma_start3A_271 = tpu.memref_slice %arg5[%dma_start3A_269, %dma_start3A_270] : memref<600x64xf32, #tpu.memory_space<vmem>> -> memref<200x64xf32, #tpu.memory_space<vmem>>
    %dma_start3A_272 = arith.constant 200 : i32
    %dma_start3A_273 = tpu.memref_slice %arg7[%dma_start3A_272] : memref<600xi32, #tpu.memory_space<vmem>> -> memref<200xi32, #tpu.memory_space<vmem>>
    %dma_start3A_274 = arith.constant 0 : i32
    %dma_start3A_275 = arith.constant 0 : i32
    %dma_start3A_276 = tpu.memref_slice %arg2[%dma_start3A_274, %dma_start3A_275] : memref<10000x64xf32, #tpu.memory_space<hbm>> -> memref<10000x64xf32, #tpu.memory_space<hbm>>
    tpu.enqueue_indirect_dma source(%dma_start3A_276 : memref<10000x64xf32, #tpu.memory_space<hbm>>) target(%dma_start3A_271 : memref<200x64xf32, #tpu.memory_space<vmem>>) offsets(%dma_start3A_273 : memref<200xi32, #tpu.memory_space<vmem>>) semaphore(%arg13 : memref<!tpu.dma_semaphore, #tpu.memory_space<semaphore_mem>>)
    %dma_start3A_277 = arith.constant 200 : i32
    %dma_start3A_278 = arith.constant 0 : i32
    %dma_start3A_279 = tpu.memref_slice %arg6[%dma_start3A_277, %dma_start3A_278] : memref<600x64xf32, #tpu.memory_space<vmem>> -> memref<200x64xf32, #tpu.memory_space<vmem>>
    %dma_start3A_280 = arith.constant 200 : i32
    %dma_start3A_281 = tpu.memref_slice %arg8[%dma_start3A_280] : memref<600xi32, #tpu.memory_space<vmem>> -> memref<200xi32, #tpu.memory_space<vmem>>
    %dma_start3A_282 = arith.constant 0 : i32
    %dma_start3A_283 = arith.constant 0 : i32
    %dma_start3A_284 = tpu.memref_slice %arg10[%dma_start3A_282, %dma_start3A_283] : memref<10000x64xf32, #tpu.memory_space<vmem_shared>> -> memref<10000x64xf32, #tpu.memory_space<vmem_shared>>
    tpu.enqueue_indirect_dma source(%dma_start3A_284 : memref<10000x64xf32, #tpu.memory_space<vmem_shared>>) target(%dma_start3A_279 : memref<200x64xf32, #tpu.memory_space<vmem>>) offsets(%dma_start3A_281 : memref<200xi32, #tpu.memory_space<vmem>>) semaphore(%arg14 : memref<!tpu.dma_semaphore, #tpu.memory_space<semaphore_mem>>)
    %scan3A = arith.constant 0 : i32
    %scan3A_285 = arith.constant 0 : i32
    %scan3A_286 = arith.constant 50 : i32
    %scan3A_287 = arith.addi %scan3A_285, %scan3A_286 : i32
    %scan3A_288 = arith.constant 1 : i32
    %scan3A_289 = scf.for %scan3A_299 = %scan3A_285 to %scan3A_287 step %scan3A_288 iter_args(%scan3A_300 = %scan3A) -> (i32)  : i32 {
      %rem3A_301 = arith.constant 3 : i32
      %rem3A_302 = arith.remsi %scan3A_299, %rem3A_301 : i32
      %add3A_303 = arith.constant 2 : i32
      %add3A_304 = arith.addi %scan3A_299, %add3A_303 : i32
      %rem3A_305 = arith.constant 3 : i32
      %rem3A_306 = arith.remsi %add3A_304, %rem3A_305 : i32
      %add3A_307 = arith.constant 2 : i32
      %add3A_308 = arith.addi %scan3A_299, %add3A_307 : i32
      %lt3A = arith.constant 50 : i32
      %lt3A_309 = arith.cmpi slt, %add3A_308, %lt3A : i32
      %convert_element_type3A = arith.extui %lt3A_309 : i1 to i32
      %cond3A = arith.constant 0 : i32
      %cond3A_310 = arith.cmpi ne, %convert_element_type3A, %cond3A : i32
      scf.if %cond3A_310 {
        %add3A_358 = arith.constant 2 : i32
        %add3A_359 = arith.addi %scan3A_299, %add3A_358 : i32
        %mul3A_360 = arith.constant 200 : i32
        %mul3A_361 = arith.muli %add3A_359, %mul3A_360 : i32
        %add3A_362 = arith.addi %mul3A_4, %mul3A_361 : i32
        %add3A_363 = arith.constant 320000 : i32
        %add3A_364 = arith.addi %add3A_363, %mul3A_4 : i32
        %mul3A_365 = arith.constant 200 : i32
        %mul3A_366 = arith.muli %add3A_359, %mul3A_365 : i32
        %add3A_367 = arith.addi %add3A_364, %mul3A_366 : i32
        %mul3A_368 = arith.constant 200 : i32
        %mul3A_369 = arith.muli %rem3A_306, %mul3A_368 : i32
        %mul3A_370 = arith.constant 200 : i32
        %mul3A_371 = arith.muli %rem3A_306, %mul3A_370 : i32
        %dma_wait3A_372 = tpu.memref_slice %arg7[%mul3A_369] : memref<600xi32, #tpu.memory_space<vmem>> -> memref<200xi32, #tpu.memory_space<vmem>>
        %dma_wait3A_373 = tpu.memref_slice %arg3[%add3A_362] : memref<640000xi32, #tpu.memory_space<hbm>> -> memref<200xi32, #tpu.memory_space<hbm>>
        %dma_wait3A_374 = tpu.memref_slice %arg7[%mul3A_369] : memref<600xi32, #tpu.memory_space<vmem>> -> memref<200xi32, #tpu.memory_space<vmem>>
        %dma_wait3A_375 = tpu.memref_slice %arg3[%add3A_362] : memref<640000xi32, #tpu.memory_space<hbm>> -> memref<200xi32, #tpu.memory_space<hbm>>
        tpu.wait_dma2 semaphore(%arg11 : memref<!tpu.dma_semaphore, #tpu.memory_space<semaphore_mem>>) src(%dma_wait3A_375 : memref<200xi32, #tpu.memory_space<hbm>>) dst(%dma_wait3A_374 : memref<200xi32, #tpu.memory_space<vmem>>)
        %dma_wait3A_376 = tpu.memref_slice %arg8[%mul3A_371] : memref<600xi32, #tpu.memory_space<vmem>> -> memref<200xi32, #tpu.memory_space<vmem>>
        %dma_wait3A_377 = tpu.memref_slice %arg3[%add3A_367] : memref<640000xi32, #tpu.memory_space<hbm>> -> memref<200xi32, #tpu.memory_space<hbm>>
        %dma_wait3A_378 = tpu.memref_slice %arg8[%mul3A_371] : memref<600xi32, #tpu.memory_space<vmem>> -> memref<200xi32, #tpu.memory_space<vmem>>
        %dma_wait3A_379 = tpu.memref_slice %arg3[%add3A_367] : memref<640000xi32, #tpu.memory_space<hbm>> -> memref<200xi32, #tpu.memory_space<hbm>>
        tpu.wait_dma2 semaphore(%arg12 : memref<!tpu.dma_semaphore, #tpu.memory_space<semaphore_mem>>) src(%dma_wait3A_379 : memref<200xi32, #tpu.memory_space<hbm>>) dst(%dma_wait3A_378 : memref<200xi32, #tpu.memory_space<vmem>>)
        %mul3A_380 = arith.constant 200 : i32
        %mul3A_381 = arith.muli %rem3A_306, %mul3A_380 : i32
        %mul3A_382 = arith.constant 200 : i32
        %mul3A_383 = arith.muli %rem3A_306, %mul3A_382 : i32
        %mul3A_384 = arith.constant 200 : i32
        %mul3A_385 = arith.muli %rem3A_306, %mul3A_384 : i32
        %mul3A_386 = arith.constant 200 : i32
        %mul3A_387 = arith.muli %rem3A_306, %mul3A_386 : i32
        %dma_start3A_388 = arith.constant 0 : i32
        %dma_start3A_389 = tpu.memref_slice %arg5[%mul3A_385, %dma_start3A_388] : memref<600x64xf32, #tpu.memory_space<vmem>> -> memref<200x64xf32, #tpu.memory_space<vmem>>
        %dma_start3A_390 = tpu.memref_slice %arg7[%mul3A_381] : memref<600xi32, #tpu.memory_space<vmem>> -> memref<200xi32, #tpu.memory_space<vmem>>
        %dma_start3A_391 = arith.constant 0 : i32
        %dma_start3A_392 = arith.constant 0 : i32
        %dma_start3A_393 = tpu.memref_slice %arg2[%dma_start3A_391, %dma_start3A_392] : memref<10000x64xf32, #tpu.memory_space<hbm>> -> memref<10000x64xf32, #tpu.memory_space<hbm>>
        tpu.enqueue_indirect_dma source(%dma_start3A_393 : memref<10000x64xf32, #tpu.memory_space<hbm>>) target(%dma_start3A_389 : memref<200x64xf32, #tpu.memory_space<vmem>>) offsets(%dma_start3A_390 : memref<200xi32, #tpu.memory_space<vmem>>) semaphore(%arg13 : memref<!tpu.dma_semaphore, #tpu.memory_space<semaphore_mem>>)
        %dma_start3A_394 = arith.constant 0 : i32
        %dma_start3A_395 = tpu.memref_slice %arg6[%mul3A_387, %dma_start3A_394] : memref<600x64xf32, #tpu.memory_space<vmem>> -> memref<200x64xf32, #tpu.memory_space<vmem>>
        %dma_start3A_396 = tpu.memref_slice %arg8[%mul3A_383] : memref<600xi32, #tpu.memory_space<vmem>> -> memref<200xi32, #tpu.memory_space<vmem>>
        %dma_start3A_397 = arith.constant 0 : i32
        %dma_start3A_398 = arith.constant 0 : i32
        %dma_start3A_399 = tpu.memref_slice %arg10[%dma_start3A_397, %dma_start3A_398] : memref<10000x64xf32, #tpu.memory_space<vmem_shared>> -> memref<10000x64xf32, #tpu.memory_space<vmem_shared>>
        tpu.enqueue_indirect_dma source(%dma_start3A_399 : memref<10000x64xf32, #tpu.memory_space<vmem_shared>>) target(%dma_start3A_395 : memref<200x64xf32, #tpu.memory_space<vmem>>) offsets(%dma_start3A_396 : memref<200xi32, #tpu.memory_space<vmem>>) semaphore(%arg14 : memref<!tpu.dma_semaphore, #tpu.memory_space<semaphore_mem>>)
      } else {
      }
      %mul3A_311 = arith.constant 200 : i32
      %mul3A_312 = arith.muli %rem3A_302, %mul3A_311 : i32
      %mul3A_313 = arith.constant 200 : i32
      %mul3A_314 = arith.muli %rem3A_302, %mul3A_313 : i32
      %mul3A_315 = arith.constant 200 : i32
      %mul3A_316 = arith.muli %rem3A_302, %mul3A_315 : i32
      %mul3A_317 = arith.constant 200 : i32
      %mul3A_318 = arith.muli %rem3A_302, %mul3A_317 : i32
      %dma_wait3A_319 = arith.constant 0 : i32
      %dma_wait3A_320 = tpu.memref_slice %arg5[%mul3A_316, %dma_wait3A_319] : memref<600x64xf32, #tpu.memory_space<vmem>> -> memref<200x64xf32, #tpu.memory_space<vmem>>
      %dma_wait3A_321 = tpu.memref_slice %arg7[%mul3A_312] : memref<600xi32, #tpu.memory_space<vmem>> -> memref<200xi32, #tpu.memory_space<vmem>>
      %dma_wait3A_322 = arith.constant 0 : i32
      %dma_wait3A_323 = arith.constant 0 : i32
      %dma_wait3A_324 = tpu.memref_slice %arg2[%dma_wait3A_322, %dma_wait3A_323] : memref<10000x64xf32, #tpu.memory_space<hbm>> -> memref<10000x64xf32, #tpu.memory_space<hbm>>
      tpu.wait_indirect_dma semaphore(%arg13 : memref<!tpu.dma_semaphore, #tpu.memory_space<semaphore_mem>>) src(%dma_wait3A_324 : memref<10000x64xf32, #tpu.memory_space<hbm>>) dst(%dma_wait3A_320 : memref<200x64xf32, #tpu.memory_space<vmem>>)
      %dma_wait3A_325 = arith.constant 0 : i32
      %dma_wait3A_326 = tpu.memref_slice %arg6[%mul3A_318, %dma_wait3A_325] : memref<600x64xf32, #tpu.memory_space<vmem>> -> memref<200x64xf32, #tpu.memory_space<vmem>>
      %dma_wait3A_327 = tpu.memref_slice %arg8[%mul3A_314] : memref<600xi32, #tpu.memory_space<vmem>> -> memref<200xi32, #tpu.memory_space<vmem>>
      %dma_wait3A_328 = arith.constant 0 : i32
      %dma_wait3A_329 = arith.constant 0 : i32
      %dma_wait3A_330 = tpu.memref_slice %arg10[%dma_wait3A_328, %dma_wait3A_329] : memref<10000x64xf32, #tpu.memory_space<vmem_shared>> -> memref<10000x64xf32, #tpu.memory_space<vmem_shared>>
      tpu.wait_indirect_dma semaphore(%arg14 : memref<!tpu.dma_semaphore, #tpu.memory_space<semaphore_mem>>) src(%dma_wait3A_330 : memref<10000x64xf32, #tpu.memory_space<vmem_shared>>) dst(%dma_wait3A_326 : memref<200x64xf32, #tpu.memory_space<vmem>>)
      %add3A_331 = arith.constant 3 : i32
      %add3A_332 = arith.addi %scan3A_299, %add3A_331 : i32
      %lt3A_333 = arith.constant 50 : i32
      %lt3A_334 = arith.cmpi slt, %add3A_332, %lt3A_333 : i32
      %convert_element_type3A_335 = arith.extui %lt3A_334 : i1 to i32
      %cond3A_336 = arith.constant 0 : i32
      %cond3A_337 = arith.cmpi ne, %convert_element_type3A_335, %cond3A_336 : i32
      scf.if %cond3A_337 {
        %add3A_358 = arith.constant 3 : i32
        %add3A_359 = arith.addi %scan3A_299, %add3A_358 : i32
        %mul3A_360 = arith.constant 200 : i32
        %mul3A_361 = arith.muli %add3A_359, %mul3A_360 : i32
        %add3A_362 = arith.addi %mul3A_4, %mul3A_361 : i32
        %add3A_363 = arith.constant 320000 : i32
        %add3A_364 = arith.addi %add3A_363, %mul3A_4 : i32
        %mul3A_365 = arith.constant 200 : i32
        %mul3A_366 = arith.muli %add3A_359, %mul3A_365 : i32
        %add3A_367 = arith.addi %add3A_364, %mul3A_366 : i32
        %mul3A_368 = arith.constant 200 : i32
        %mul3A_369 = arith.muli %rem3A_302, %mul3A_368 : i32
        %mul3A_370 = arith.constant 200 : i32
        %mul3A_371 = arith.muli %rem3A_302, %mul3A_370 : i32
        %dma_start3A_372 = tpu.memref_slice %arg7[%mul3A_369] : memref<600xi32, #tpu.memory_space<vmem>> -> memref<200xi32, #tpu.memory_space<vmem>>
        %dma_start3A_373 = tpu.memref_slice %arg3[%add3A_362] : memref<640000xi32, #tpu.memory_space<hbm>> -> memref<200xi32, #tpu.memory_space<hbm>>
        %dma_start3A_374 = tpu.memref_slice %arg7[%mul3A_369] : memref<600xi32, #tpu.memory_space<vmem>> -> memref<200xi32, #tpu.memory_space<vmem>>
        %dma_start3A_375 = tpu.memref_slice %arg3[%add3A_362] : memref<640000xi32, #tpu.memory_space<hbm>> -> memref<200xi32, #tpu.memory_space<hbm>>
        tpu.enqueue_dma source(%dma_start3A_375 : memref<200xi32, #tpu.memory_space<hbm>>) target(%dma_start3A_374 : memref<200xi32, #tpu.memory_space<vmem>>) target_semaphore(%arg11 : memref<!tpu.dma_semaphore, #tpu.memory_space<semaphore_mem>>)
        %dma_start3A_376 = tpu.memref_slice %arg8[%mul3A_371] : memref<600xi32, #tpu.memory_space<vmem>> -> memref<200xi32, #tpu.memory_space<vmem>>
        %dma_start3A_377 = tpu.memref_slice %arg3[%add3A_367] : memref<640000xi32, #tpu.memory_space<hbm>> -> memref<200xi32, #tpu.memory_space<hbm>>
        %dma_start3A_378 = tpu.memref_slice %arg8[%mul3A_371] : memref<600xi32, #tpu.memory_space<vmem>> -> memref<200xi32, #tpu.memory_space<vmem>>
        %dma_start3A_379 = tpu.memref_slice %arg3[%add3A_367] : memref<640000xi32, #tpu.memory_space<hbm>> -> memref<200xi32, #tpu.memory_space<hbm>>
        tpu.enqueue_dma source(%dma_start3A_379 : memref<200xi32, #tpu.memory_space<hbm>>) target(%dma_start3A_378 : memref<200xi32, #tpu.memory_space<vmem>>) target_semaphore(%arg12 : memref<!tpu.dma_semaphore, #tpu.memory_space<semaphore_mem>>)
      } else {
      }
      %mul3A_338 = arith.constant 200 : i32
      %mul3A_339 = arith.muli %rem3A_302, %mul3A_338 : i32
      %rem3A_340 = arith.constant 2 : i32
      %rem3A_341 = arith.remsi %scan3A_299, %rem3A_340 : i32
      %mul3A_342 = arith.constant 200 : i32
      %mul3A_343 = arith.muli %rem3A_341, %mul3A_342 : i32
      %parallel_loop3A = arith.constant 0 : i32
      %parallel_loop3A_344 = arith.constant 200 : i32
      %parallel_loop3A_345 = arith.constant 1 : i32
      scf.for %parallel_loop3A_358 = %parallel_loop3A to %parallel_loop3A_344 step %parallel_loop3A_345  : i32 {
        %parallel_loop3A_359 = arith.constant 0.000000e+00 : f32
        %parallel_loop3A_360 = vector.broadcast %parallel_loop3A_359 : f32 to vector<16xf32>
        %parallel_loop3A_361 = arith.addi %mul3A_339, %parallel_loop3A_358 : i32
        %parallel_loop3A_362 = arith.index_cast %parallel_loop3A_361 : i32 to index
        %parallel_loop3A_363 = arith.constant 0 : index
        %parallel_loop3A_364 = tpu.vector_load %arg5[%parallel_loop3A_362, %parallel_loop3A_363] {strides = array<i32>} : memref<600x64xf32, #tpu.memory_space<vmem>>, vector<16xf32>,
        %parallel_loop3A_365 = arith.addi %mul3A_339, %parallel_loop3A_358 : i32
        %parallel_loop3A_366 = arith.index_cast %parallel_loop3A_365 : i32 to index
        %parallel_loop3A_367 = arith.constant 0 : index
        %parallel_loop3A_368 = tpu.vector_load %arg6[%parallel_loop3A_366, %parallel_loop3A_367] {strides = array<i32>} : memref<600x64xf32, #tpu.memory_space<vmem>>, vector<16xf32>,
        %parallel_loop3A_369 = vector.bitcast %parallel_loop3A_364 : vector<16xf32> to vector<32xbf16>
        %parallel_loop3A_370 = vector.bitcast %parallel_loop3A_368 : vector<16xf32> to vector<32xbf16>
        %parallel_loop3A_371 = arith.mulf %parallel_loop3A_369, %parallel_loop3A_370 : vector<32xbf16>
        %parallel_loop3A_372 = tpu.unpack_subelements %parallel_loop3A_371, 0 {pack_format = #tpu.pack_format<interleaved>} : vector<32xbf16> -> vector<16xf32>
        %parallel_loop3A_373 = tpu.unpack_subelements %parallel_loop3A_371, 1 {pack_format = #tpu.pack_format<interleaved>} : vector<32xbf16> -> vector<16xf32>
        %parallel_loop3A_374 = arith.addf %parallel_loop3A_360, %parallel_loop3A_372 : vector<16xf32>
        %parallel_loop3A_375 = arith.addf %parallel_loop3A_374, %parallel_loop3A_373 : vector<16xf32>
        %parallel_loop3A_376 = arith.addi %mul3A_339, %parallel_loop3A_358 : i32
        %parallel_loop3A_377 = arith.index_cast %parallel_loop3A_376 : i32 to index
        %parallel_loop3A_378 = arith.constant 16 : index
        %parallel_loop3A_379 = tpu.vector_load %arg5[%parallel_loop3A_377, %parallel_loop3A_378] {strides = array<i32>} : memref<600x64xf32, #tpu.memory_space<vmem>>, vector<16xf32>,
        %parallel_loop3A_380 = arith.addi %mul3A_339, %parallel_loop3A_358 : i32
        %parallel_loop3A_381 = arith.index_cast %parallel_loop3A_380 : i32 to index
        %parallel_loop3A_382 = arith.constant 16 : index
        %parallel_loop3A_383 = tpu.vector_load %arg6[%parallel_loop3A_381, %parallel_loop3A_382] {strides = array<i32>} : memref<600x64xf32, #tpu.memory_space<vmem>>, vector<16xf32>,
        %parallel_loop3A_384 = vector.bitcast %parallel_loop3A_379 : vector<16xf32> to vector<32xbf16>
        %parallel_loop3A_385 = vector.bitcast %parallel_loop3A_383 : vector<16xf32> to vector<32xbf16>
        %parallel_loop3A_386 = arith.mulf %parallel_loop3A_384, %parallel_loop3A_385 : vector<32xbf16>
        %parallel_loop3A_387 = tpu.unpack_subelements %parallel_loop3A_386, 0 {pack_format = #tpu.pack_format<interleaved>} : vector<32xbf16> -> vector<16xf32>
        %parallel_loop3A_388 = tpu.unpack_subelements %parallel_loop3A_386, 1 {pack_format = #tpu.pack_format<interleaved>} : vector<32xbf16> -> vector<16xf32>
        %parallel_loop3A_389 = arith.addf %parallel_loop3A_375, %parallel_loop3A_387 : vector<16xf32>
        %parallel_loop3A_390 = arith.addf %parallel_loop3A_389, %parallel_loop3A_388 : vector<16xf32>
        %parallel_loop3A_391 = arith.addi %mul3A_339, %parallel_loop3A_358 : i32
        %parallel_loop3A_392 = arith.index_cast %parallel_loop3A_391 : i32 to index
        %parallel_loop3A_393 = arith.constant 32 : index
        %parallel_loop3A_394 = tpu.vector_load %arg5[%parallel_loop3A_392, %parallel_loop3A_393] {strides = array<i32>} : memref<600x64xf32, #tpu.memory_space<vmem>>, vector<16xf32>,
        %parallel_loop3A_395 = arith.addi %mul3A_339, %parallel_loop3A_358 : i32
        %parallel_loop3A_396 = arith.index_cast %parallel_loop3A_395 : i32 to index
        %parallel_loop3A_397 = arith.constant 32 : index
        %parallel_loop3A_398 = tpu.vector_load %arg6[%parallel_loop3A_396, %parallel_loop3A_397] {strides = array<i32>} : memref<600x64xf32, #tpu.memory_space<vmem>>, vector<16xf32>,
        %parallel_loop3A_399 = vector.bitcast %parallel_loop3A_394 : vector<16xf32> to vector<32xbf16>
        %parallel_loop3A_400 = vector.bitcast %parallel_loop3A_398 : vector<16xf32> to vector<32xbf16>
        %parallel_loop3A_401 = arith.mulf %parallel_loop3A_399, %parallel_loop3A_400 : vector<32xbf16>
        %parallel_loop3A_402 = tpu.unpack_subelements %parallel_loop3A_401, 0 {pack_format = #tpu.pack_format<interleaved>} : vector<32xbf16> -> vector<16xf32>
        %parallel_loop3A_403 = tpu.unpack_subelements %parallel_loop3A_401, 1 {pack_format = #tpu.pack_format<interleaved>} : vector<32xbf16> -> vector<16xf32>
        %parallel_loop3A_404 = arith.addf %parallel_loop3A_390, %parallel_loop3A_402 : vector<16xf32>
        %parallel_loop3A_405 = arith.addf %parallel_loop3A_404, %parallel_loop3A_403 : vector<16xf32>
        %parallel_loop3A_406 = arith.addi %mul3A_339, %parallel_loop3A_358 : i32
        %parallel_loop3A_407 = arith.index_cast %parallel_loop3A_406 : i32 to index
        %parallel_loop3A_408 = arith.constant 48 : index
        %parallel_loop3A_409 = tpu.vector_load %arg5[%parallel_loop3A_407, %parallel_loop3A_408] {strides = array<i32>} : memref<600x64xf32, #tpu.memory_space<vmem>>, vector<16xf32>,
        %parallel_loop3A_410 = arith.addi %mul3A_339, %parallel_loop3A_358 : i32
        %parallel_loop3A_411 = arith.index_cast %parallel_loop3A_410 : i32 to index
        %parallel_loop3A_412 = arith.constant 48 : index
        %parallel_loop3A_413 = tpu.vector_load %arg6[%parallel_loop3A_411, %parallel_loop3A_412] {strides = array<i32>} : memref<600x64xf32, #tpu.memory_space<vmem>>, vector<16xf32>,
        %parallel_loop3A_414 = vector.bitcast %parallel_loop3A_409 : vector<16xf32> to vector<32xbf16>
        %parallel_loop3A_415 = vector.bitcast %parallel_loop3A_413 : vector<16xf32> to vector<32xbf16>
        %parallel_loop3A_416 = arith.mulf %parallel_loop3A_414, %parallel_loop3A_415 : vector<32xbf16>
        %parallel_loop3A_417 = tpu.unpack_subelements %parallel_loop3A_416, 0 {pack_format = #tpu.pack_format<interleaved>} : vector<32xbf16> -> vector<16xf32>
        %parallel_loop3A_418 = tpu.unpack_subelements %parallel_loop3A_416, 1 {pack_format = #tpu.pack_format<interleaved>} : vector<32xbf16> -> vector<16xf32>
        %parallel_loop3A_419 = arith.addf %parallel_loop3A_405, %parallel_loop3A_417 : vector<16xf32>
        %parallel_loop3A_420 = arith.addf %parallel_loop3A_419, %parallel_loop3A_418 : vector<16xf32>
        %parallel_loop3A_421 = arith.constant true
        %parallel_loop3A_422 = vector.broadcast %parallel_loop3A_421 : i1 to vector<16xi1>
        %parallel_loop3A_423 = tpu.scan <sum>, %parallel_loop3A_420 masked %parallel_loop3A_422 : vector<16xf32>, vector<16xi1> -> vector<16xf32>
        %parallel_loop3A_424 = arith.addi %mul3A_343, %parallel_loop3A_358 : i32
        %parallel_loop3A_425 = vector.broadcast %parallel_loop3A_424 : i32 to vector<16xi32>
        tpu.vector_store_idx %arg9[%parallel_loop3A_425], %parallel_loop3A_423 masked %eq3A_2 : memref<400xf32, #tpu.memory_space<vmem>>[vector<16xi32>], vector<16xf32>, vector<16xi1>
      } {sc.loop_unroll_factor = 4 : i64, sc.parallel_access}
      %ge3A = arith.constant 1 : i32
      %ge3A_346 = arith.cmpi sge, %scan3A_299, %ge3A : i32
      %convert_element_type3A_347 = arith.extui %ge3A_346 : i1 to i32
      %cond3A_348 = arith.constant 0 : i32
      %cond3A_349 = arith.cmpi ne, %convert_element_type3A_347, %cond3A_348 : i32
      scf.if %cond3A_349 {
        %sub3A = arith.constant 1 : i32
        %sub3A_358 = arith.subi %sub3A, %rem3A_341 : i32
        %mul3A_359 = arith.constant 200 : i32
        %mul3A_360 = arith.muli %sub3A_358, %mul3A_359 : i32
        %dma_wait3A_361 = tpu.memref_slice %arg9[%mul3A_360] : memref<400xf32, #tpu.memory_space<vmem>> -> memref<200xf32, #tpu.memory_space<vmem>>
        %dma_wait3A_362 = tpu.memref_slice %arg4[%mul3A_4] : memref<320000xf32, #tpu.memory_space<hbm>> -> memref<200xf32, #tpu.memory_space<hbm>>
        %dma_wait3A_363 = tpu.memref_slice %arg4[%mul3A_4] : memref<320000xf32, #tpu.memory_space<hbm>> -> memref<200xf32, #tpu.memory_space<hbm>>
        %dma_wait3A_364 = tpu.memref_slice %arg9[%mul3A_360] : memref<400xf32, #tpu.memory_space<vmem>> -> memref<200xf32, #tpu.memory_space<vmem>>
        tpu.wait_dma2 semaphore(%arg15 : memref<!tpu.dma_semaphore, #tpu.memory_space<semaphore_mem>>) src(%dma_wait3A_364 : memref<200xf32, #tpu.memory_space<vmem>>) dst(%dma_wait3A_363 : memref<200xf32, #tpu.memory_space<hbm>>)
      } else {
      }
      %mul3A_350 = arith.constant 200 : i32
      %mul3A_351 = arith.muli %scan3A_299, %mul3A_350 : i32
      %add3A_352 = arith.addi %mul3A_4, %mul3A_351 : i32
      %dma_start3A_353 = tpu.memref_slice %arg9[%mul3A_343] : memref<400xf32, #tpu.memory_space<vmem>> -> memref<200xf32, #tpu.memory_space<vmem>>
      %dma_start3A_354 = tpu.memref_slice %arg4[%add3A_352] : memref<320000xf32, #tpu.memory_space<hbm>> -> memref<200xf32, #tpu.memory_space<hbm>>
      %dma_start3A_355 = tpu.memref_slice %arg4[%add3A_352] : memref<320000xf32, #tpu.memory_space<hbm>> -> memref<200xf32, #tpu.memory_space<hbm>>
      %dma_start3A_356 = tpu.memref_slice %arg9[%mul3A_343] : memref<400xf32, #tpu.memory_space<vmem>> -> memref<200xf32, #tpu.memory_space<vmem>>
      tpu.enqueue_dma source(%dma_start3A_356 : memref<200xf32, #tpu.memory_space<vmem>>) target(%dma_start3A_355 : memref<200xf32, #tpu.memory_space<hbm>>) target_semaphore(%arg15 : memref<!tpu.dma_semaphore, #tpu.memory_space<semaphore_mem>>)
      %scan3A_357 = arith.constant 0 : i32
      scf.yield %scan3A_357 : i32
    }
    %scan3A_290 = arith.constant 50 : i32
    %rem3A = arith.constant 49 : i32
    %rem3A_291 = arith.constant 2 : i32
    %rem3A_292 = arith.remsi %rem3A, %rem3A_291 : i32
    %mul3A_293 = arith.constant 200 : i32
    %mul3A_294 = arith.muli %rem3A_292, %mul3A_293 : i32
    %dma_wait3A_295 = tpu.memref_slice %arg9[%mul3A_294] : memref<400xf32, #tpu.memory_space<vmem>> -> memref<200xf32, #tpu.memory_space<vmem>>
    %dma_wait3A_296 = tpu.memref_slice %arg4[%mul3A_4] : memref<320000xf32, #tpu.memory_space<hbm>> -> memref<200xf32, #tpu.memory_space<hbm>>
    %dma_wait3A_297 = tpu.memref_slice %arg4[%mul3A_4] : memref<320000xf32, #tpu.memory_space<hbm>> -> memref<200xf32, #tpu.memory_space<hbm>>
    %dma_wait3A_298 = tpu.memref_slice %arg9[%mul3A_294] : memref<400xf32, #tpu.memory_space<vmem>> -> memref<200xf32, #tpu.memory_space<vmem>>
    tpu.wait_dma2 semaphore(%arg15 : memref<!tpu.dma_semaphore, #tpu.memory_space<semaphore_mem>>) src(%dma_wait3A_298 : memref<200xf32, #tpu.memory_space<vmem>>) dst(%dma_wait3A_297 : memref<200xf32, #tpu.memory_space<hbm>>)
    return
  }
}

module attributes {stable_mosaic.version = 14 : i64} {
  func.func @_mlp_body(%arg0: memref<10000x128xf32, #tpu.memory_space<vmem>>, %arg1: memref<128x128xf32, #tpu.memory_space<vmem>>, %arg2: memref<1x128xf32, #tpu.memory_space<vmem>>, %arg3: memref<128x128xf32, #tpu.memory_space<vmem>>, %arg4: memref<1x128xf32, #tpu.memory_space<vmem>>, %arg5: memref<10000x64xf32, #tpu.memory_space<vmem>>) attributes {dimension_semantics = [], scalar_prefetch = 0 : i64, scratch_operands = 0 : i64, tpu.core_type = #tpu.core_type<tc>} {
    %get3A = arith.constant 0 : index
    %get3A_0 = arith.constant 0 : index
    %get3A_1 = vector.load %arg0[%get3A, %get3A_0] : memref<10000x128xf32, #tpu.memory_space<vmem>>, vector<10000x128xf32>
    %get3A_2 = arith.constant 0 : index
    %get3A_3 = arith.constant 0 : index
    %get3A_4 = vector.load %arg1[%get3A_2, %get3A_3] : memref<128x128xf32, #tpu.memory_space<vmem>>, vector<128x128xf32>
    %dot_general3A = arith.constant dense<0.000000e+00> : vector<10000x128xf32>
    %dot_general3A_5 = tpu.matmul %get3A_1, %get3A_4, %dot_general3A {dimension_numbers = #tpu.dot_dimension_numbers<[1], [0], [0], [1], [0, 0, 1, 1], [], []>, transpose_lhs_hint = false} : vector<10000x128xf32>, vector<128x128xf32>, vector<10000x128xf32> -> vector<10000x128xf32>
    %get3A_6 = arith.constant 0 : index
    %get3A_7 = arith.constant 0 : index
    %get3A_8 = vector.load %arg2[%get3A_6, %get3A_7] : memref<1x128xf32, #tpu.memory_space<vmem>>, vector<1x128xf32>
    %add3A = vector.broadcast %get3A_8 : vector<1x128xf32> to vector<10000x128xf32>
    %add3A_9 = arith.addf %dot_general3A_5, %add3A : vector<10000x128xf32>
    %max3A = arith.constant 0.000000e+00 : f32
    %max3A_10 = vector.broadcast %max3A : f32 to vector<10000x128xf32>
    %max3A_11 = arith.maximumf %add3A_9, %max3A_10 : vector<10000x128xf32>
    %get3A_12 = arith.constant 0 : index
    %get3A_13 = arith.constant 0 : index
    %get3A_14 = vector.load %arg3[%get3A_12, %get3A_13] : memref<128x128xf32, #tpu.memory_space<vmem>>, vector<128x128xf32>
    %dot_general3A_15 = arith.constant dense<0.000000e+00> : vector<10000x128xf32>
    %dot_general3A_16 = tpu.matmul %max3A_11, %get3A_14, %dot_general3A_15 {dimension_numbers = #tpu.dot_dimension_numbers<[1], [0], [0], [1], [0, 0, 1, 1], [], []>, transpose_lhs_hint = false} : vector<10000x128xf32>, vector<128x128xf32>, vector<10000x128xf32> -> vector<10000x128xf32>
    %get3A_17 = arith.constant 0 : index
    %get3A_18 = arith.constant 0 : index
    %get3A_19 = vector.load %arg4[%get3A_17, %get3A_18] : memref<1x128xf32, #tpu.memory_space<vmem>>, vector<1x128xf32>
    %add3A_20 = vector.broadcast %get3A_19 : vector<1x128xf32> to vector<10000x128xf32>
    %add3A_21 = arith.addf %dot_general3A_16, %add3A_20 : vector<10000x128xf32>
    %convert_element_type3A = arith.truncf %add3A_21 : vector<10000x128xf32> to vector<10000x128xbf16>
    %slice3A = vector.extract_strided_slice %convert_element_type3A {offsets = [0, 0], sizes = [10000, 64], strides = [1, 1]} : vector<10000x128xbf16> to vector<10000x64xbf16>
    %bitcast_convert_type3A = tpu.bitcast %slice3A : vector<10000x64xbf16> -> vector<10000x64xi16>
    %convert_element_type3A_22 = arith.extui %bitcast_convert_type3A : vector<10000x64xi16> to vector<10000x64xi32>
    %slice3A_23 = vector.extract_strided_slice %convert_element_type3A {offsets = [0, 64], sizes = [10000, 64], strides = [1, 1]} : vector<10000x128xbf16> to vector<10000x64xbf16>
    %bitcast_convert_type3A_24 = tpu.bitcast %slice3A_23 : vector<10000x64xbf16> -> vector<10000x64xi16>
    %convert_element_type3A_25 = arith.extui %bitcast_convert_type3A_24 : vector<10000x64xi16> to vector<10000x64xi32>
    %shift_left3A = arith.constant 16 : i32
    %shift_left3A_26 = vector.broadcast %shift_left3A : i32 to vector<10000x64xi32>
    %shift_left3A_27 = arith.shli %convert_element_type3A_25, %shift_left3A_26 : vector<10000x64xi32>
    %or3A = arith.ori %convert_element_type3A_22, %shift_left3A_27 : vector<10000x64xi32>
    %bitcast_convert_type3A_28 = tpu.bitcast %or3A : vector<10000x64xi32> -> vector<10000x64xf32>
    %swap3A = arith.constant 0 : index
    %swap3A_29 = arith.constant 0 : index
    %swap3A_30 = vector.load %arg5[%swap3A, %swap3A_29] : memref<10000x64xf32, #tpu.memory_space<vmem>>, vector<10000x64xf32>
    tpu.vector_store %arg5[%swap3A, %swap3A_29], %bitcast_convert_type3A_28 {strides = array<i32>} : memref<10000x64xf32, #tpu.memory_space<vmem>>, vector<10000x64xf32>,
    return
  }
}

</mosaic_0001>

<sc_bundles>
// kernel: kernel.4.cloned.1.call-start
scs
__scs_entry_jumppad:
0x0: {  	(pc) =	sbr.rel $0x88, $3  }
0x1: {  	(tag) =	ssettag $0x0;
	lr =	simm.s32 $0x1  }
0x2: {  	[smem:$0x3F9A] =	sst lr;
	_ =	strace $0xD0000000  }
0x3: {  	_ = 	snop  }
0x4: {  	_ = 	snop  }
0x5: {  	_ = 	snop  }
0x6: {  	_ = 	snop  }
0x7: {  	_ = 	snop  }
__scs_overlays_trampoline_lowered:
0x8: {  	[smem:$0x3FA9] =	sst s0  }
0x9: {  	[smem:$0x3FAA] =	sst s1  }
0xa: {  	[smem:$0x3FAB] =	sst s2  }
0xb: {  	[smem:$0x3FAC] =	sst s3  }
0xc: {  	[smem:$0x3FAD] =	sst s4  }
0xd: {  	[smem:$0x3FAE] =	sst s5  }
0xe: {  	[smem:$0x3FAF] =	sst s6  }
0xf: {  	[smem:$0x3FB0] =	sst s7  }
0x10: {  	[smem:$0x3FB1] =	sst s8  }
0x11: {  	[smem:$0x3FB2] =	sst s9;
	s0 =	simm.s32 @!p0 $0x0  }
0x12: {  	s1 =	sld [smem:$0x3F98];
	s0 =	simm.s32 @p0 $0x1  }
0x13: {  	[smem:$0x3FB3] =	sst s0;
	s0 =	simm.s32 @!p1 $0x0  }
0x14: {  	s2 =	sld [smem:$0x3F97];
	s0 =	simm.s32 @p1 $0x1  }
0x15: {  	[smem:$0x3FB4] =	sst s0;
	s0 =	simm.s32 @!p2 $0x0  }
0x16: {  	s3 =	sld [smem:$0x3FDB];
	s0 =	simm.s32 @p2 $0x1  }
0x17: {  	s4 =	simm.s32 $0x1BF5;
	[smem:$0x3FB6] =	sst s0  }
0x18: {  	s0 =	sld [smem:$0x3F99];
	_ =	swait.ge [sflag:s4], $0x0  }
0x19: {  	s7 =	sld [smem:$0x3F9A]  }
0x1a: {  	s8 =	sadd.s32 $0xFFFFE003, lr  }
0x1b: {  	s9 =	sadd.s32 $0xFFFFFEF7, lr;
	s5 =	simm.s32 $0xFFFFFFFF;
	p2 =	slt.u32 s8, $0xFFFFF086  }
0x1c: {  	p1 =	slt.u32 s9, $0xF7A;
	s5 =	simm.s32 @!p2 $0x0  }
0x1d: {  	s5 =	simm.s32 @p1 $0x1;
	p0 =	seq.s32 s7, s2  }
0x1e: {  	s7 =	smul.u32 @!p0 $0xF7A, s2;
	p2 =	seq.s32 @!p0 s5, $0x0  }
0x1f: {  	s9 =	smul.u32 $0xF7A, s1;
	s8 =	simm.s32 @!p0 $0x1BF5;
	p2 =	por !p2, p0  }
0x20: {  	[sflag:s8] =	ssyncset.s32 @!p0 $0xFFFFF086;
	s6 =	sadd.s32 @!p0 s3, s7;
	s7 =	simm.s32 @!p0 $0x108  }
0x21: {  	s3 =	sadd.s32 s3, s9;
	s6 =	sadd.s32 @!p0 $0x88, s6;
	s7 =	simm.s32 @p2 $0x1082  }
0x22: {  	[simem:s7], [sflag:s8] =	dma.local @!p0 [hbm:s6], $0xF7A  }
0x23: {  	s9 =	sor.u32 $0xD0000000, s2;
	s6 =	simm.s32 $0x108;
	_ =	swait.ge @!p0 [sflag:s8], $0x0  }
0x24: {  	s3 =	sadd.s32 $0x88, s3;
	s6 =	simm.s32 @!p1 $0x1082;
	[sflag:s4] =	ssyncset.s32 $0xFFFFF086  }
0x25: {  	[simem:s6], [sflag:s4] =	dma.local [hbm:s3], $0xF7A  }
0x26: {  	[smem:$0x3F9A] =	sst s1;
	(tag) =	ssettag s2;
	_ =	strace s9  }
0x27: {  	s1 =	sld [smem:$0x3FAA]  }
0x28: {  	s2 =	sld [smem:$0x3FAB]  }
0x29: {  	s4 =	sld [smem:$0x3FAD]  }
0x2a: {  	p0 =	seq.s32 s5, $0x0;
	s5 =	sld [smem:$0x3FAE]  }
0x2b: {  	s6 =	sld [smem:$0x3FAF]  }
0x2c: {  	s7 =	sld [smem:$0x3FB0]  }
0x2d: {  	s3 =	simm.s32 $0x108;
	s8 =	sld [smem:$0x3FB1]  }
0x2e: {  	s3 =	simm.s32 @!p0 $0x1082;
	s9 =	sld [smem:$0x3FB2]  }
0x2f: {  	lr =	sadd.s32 s0, s3;
	s0 =	sld [smem:$0x3FA9]  }
0x30: {  	s3 =	sld [smem:$0x3FAC]  }
0x31: {  	[smem:$0x3FB5] =	sst s10  }
0x32: {  	s10 =	sld [smem:$0x3FB3];
	_ =	sdelay $0x3  }
0x33: {  	p0 =	seq.s32 s10, $0x1;
	s10 =	sld [smem:$0x3FB5];
	_ =	sdelay $0x3  }
0x34: {  	[smem:$0x3FB5] =	sst s10  }
0x35: {  	s10 =	sld [smem:$0x3FB4];
	_ =	sdelay $0x3  }
0x36: {  	p1 =	seq.s32 s10, $0x1;
	s10 =	sld [smem:$0x3FB5];
	_ =	sdelay $0x3  }
0x37: {  	[smem:$0x3FB5] =	sst s10  }
0x38: {  	s10 =	sld [smem:$0x3FB6]  }
0x39: {  	_ = 	snop;
	(pc) =	sbr.ind lr, $3  }
0x3a: {  	_ = 	snop  }
0x3b: {  	_ = 	snop  }
0x3c: {  	p2 =	seq.s32 s10, $0x1;
	s10 =	sld [smem:$0x3FB5]  }
0x3d: {  	_ =	shalt  }
0x3e: {  	_ =	shalt  }
0x3f: {  	_ =	shalt  }
0x40: {  	_ =	shalt  }
0x41: {  	_ =	shalt  }
0x42: {  	_ =	shalt  }
0x43: {  	_ =	shalt  }
0x44: {  	_ =	shalt  }
0x45: {  	_ =	shalt  }
0x46: {  	_ =	shalt  }
0x47: {  	_ =	shalt  }
0x48: {  	_ =	shalt  }
0x49: {  	_ =	shalt  }
0x4a: {  	_ =	shalt  }
0x4b: {  	_ =	shalt  }
0x4c: {  	_ =	shalt  }
0x4d: {  	_ =	shalt  }
0x4e: {  	_ =	shalt  }
0x4f: {  	_ =	shalt  }
0x50: {  	_ =	shalt  }
0x51: {  	_ =	shalt  }
0x52: {  	_ =	shalt  }
0x53: {  	_ =	shalt  }
0x54: {  	_ =	shalt  }
0x55: {  	_ =	shalt  }
0x56: {  	_ =	shalt  }
0x57: {  	_ =	shalt  }
0x58: {  	_ =	shalt  }
0x59: {  	_ =	shalt  }
0x5a: {  	_ =	shalt  }
0x5b: {  	_ =	shalt  }
0x5c: {  	_ =	shalt  }
0x5d: {  	_ =	shalt  }
0x5e: {  	_ =	shalt  }
0x5f: {  	_ =	shalt  }
0x60: {  	_ =	shalt  }
0x61: {  	_ =	shalt  }
0x62: {  	_ =	shalt  }
0x63: {  	_ =	shalt  }
0x64: {  	_ =	shalt  }
0x65: {  	_ =	shalt  }
0x66: {  	_ =	shalt  }
0x67: {  	_ =	shalt  }
0x68: {  	_ =	shalt  }
0x69: {  	_ =	shalt  }
0x6a: {  	_ =	shalt  }
0x6b: {  	_ =	shalt  }
0x6c: {  	_ =	shalt  }
0x6d: {  	_ =	shalt  }
0x6e: {  	_ =	shalt  }
0x6f: {  	_ =	shalt  }
0x70: {  	_ =	shalt  }
0x71: {  	_ =	shalt  }
0x72: {  	_ =	shalt  }
0x73: {  	_ =	shalt  }
0x74: {  	_ =	shalt  }
0x75: {  	_ =	shalt  }
0x76: {  	_ =	shalt  }
0x77: {  	_ =	shalt  }
0x78: {  	_ =	shalt  }
0x79: {  	_ =	shalt  }
0x7a: {  	_ =	shalt  }
0x7b: {  	_ =	shalt  }
0x7c: {  	_ =	shalt  }
0x7d: {  	_ =	shalt  }
0x7e: {  	_ =	shalt  }
0x7f: {  	_ =	shalt  }
0x80: {  	_ =	shalt  }
0x81: {  	_ =	shalt  }
0x82: {  	_ =	shalt  }
0x83: {  	_ =	shalt  }
0x84: {  	_ =	shalt  }
0x85: {  	_ =	shalt  }
0x86: {  	_ =	shalt  }
0x87: {  	_ =	shalt  }
.Lfunc_end0:
.L_simem_size_0:
called_computation_lowered:
.L_overlay_start_0:
0x88: {  	s2 =	sld [smem:$0x3FD9]  }
0x89: {  	s3 =	sld [smem:$0x3FFE];
	_ =	sdelay $0x1  }
0x8a: {  	s1 =	srdreg.scid  }
0x8b: {  	s0 =	sand.u32 $0x1, s1  }
0x8c: {  	s14 =	sshll.u32 s0, $0xA;
	s2 =	sadd.s32 s3, s2  }
0x8d: {  	s2 =	sadd.s32 s2, s14  }
0x8e: {  	[smem:$0x3FC1] =	sst s2  }
0x8f: {  	_ = 	snop  }
0x90: {  	s2 =	sld [smem:$0x3FD0];
	_ =	sdelay $0x2  }
0x91: {  	s15 =	simm.s32 $0xA;
	s4 =	simm.s32 $0x10  }
0x92: {  	[smem:s4], [sflag:s15] =	dma.local [hbm:s2], $0x1  }
0x93: {  	_ =	swait.eq [sflag:s15], $0x1  }
0x94: {  	[sflag:s15] =	ssyncset.done $0x0  }
0x95: {  	[sflag:s15] =	ssyncadd.s32 $0xFFFFFFFF  }
0x96: {  	s16 =	sld [smem:$0x10];
	(tm) =	ssettm $0x1  }
0x97: {  	s17 =	sld [smem:$0x3FFB];
	_ =	sdelay $0x3  }
0x98: {  	_ =	strace s17  }
0x99: {  	s3 =	sld [smem:$0x3FFC];
	_ =	sdelay $0x3  }
0x9a: {  	_ =	strace s3  }
0x9b: {  	s3 =	sld [smem:$0x3FFD];
	_ =	sdelay $0x3  }
0x9c: {  	_ =	strace s3  }
0x9d: {  	_ =	strace $0x8FFFFFFF  }
0x9e: {  	s18 =	sld [smem:$0x3FDB];
	_ =	sdelay $0x1  }
0x9f: {  	s19 =	simm.s32 $_scs_section_size  }
0xa0: {  	s5 =	simm.s32 $_size__tile_overlayer_lowered;
	s6 =	simm.s32 $_tile_overlayer_lowered  }
0xa1: {  	s22 =	simm.s32 $0x1BFF;
	s21 =	sshll.u32 s6, $0x1;
	s3 =	sadd.s32 s19, s18  }
0xa2: {  	s7 =	simm.s32 $0x0;
	s20 =	sshll.u32 s5, $0x1;
	s5 =	sadd.s32 s21, s3  }
0xa3: {  	[timem:s7], [sflag:s22] =	dma.local [hbm:s5], s20  }
0xa4: {  	_ =	swait.ge [sflag:s22], s20  }
0xa5: {  	s4 =	ssub.s32 $0x0, s20;
	[sflag:s22] =	ssyncset.done $0x0  }
0xa6: {  	[sflag:s22] =	ssyncadd.s32 s4;
	_ =	sdelay $0x1  }
0xa7: {  	s23 =	simm.s32 $0x1B8B  }
0xa8: {  	_ =	swait.ge [sflag:s23], $0x1  }
0xa9: {  	[sflag:s23] =	ssyncset.done $0x0  }
0xaa: {  	s25 =	simm.s32 $0x1B8E;
	s24 =	sld [smem:$0x3FFE];
	[sflag:s23] =	ssyncadd.s32 $0xFFFFFFFF  }
0xab: {  	s26 =	simm.s32 $execute0_lowered;
	[smem:$0x3FD2] =	sst s25  }
0xac: {  	s5 =	sshll.u32 s26, $0x1;
	_ =	strace $0x80000046;
	[dreg:$0x1] =	wrdreg $0xFFFFFFFF  }
0xad: {  	s28 =	simm.s32 $_size_execute0_lowered;
	s3 =	sadd.s32 s3, s5;
	[dreg:$0x0] =	wrdreg $0x0  }
0xae: {  	s5 =	sshll.u32 s28, $0x1;
	[dreg:$0x2] =	wrdreg s3  }
0xaf: {  	[dreg:$0x3] =	wrdreg s5  }
0xb0: {  	[dreg:$0x4] =	wrdreg $0xC0  }
0xb1: {  	_ =	task [dreg:s7], $0x5FFFF  }
0xb2: {  	[dreg:$0x1] =	wrdreg $0xFFFFFFFF  }
0xb3: {  	[dreg:$0x0] =	wrdreg $0x60  }
0xb4: {  	[dreg:$0x2] =	wrdreg s24  }
0xb5: {  	[dreg:$0x3] =	wrdreg s16  }
0xb6: {  	[dreg:$0x4] =	wrdreg $0x132400  }
0xb7: {  	[dreg:$0x5] =	wrdreg $0x9  }
0xb8: {  	_ =	task.clear_ibuf [dreg:s7], $0x6FFFF;
	_ =	strace $0x90000046  }
0xb9: {  	s29 =	simm.s32 $0x9;
	_ =	strace $0x80000048  }
0xba: {  	_ =	swait.ge [sflag:s29], $0x1  }
0xbb: {  	[sflag:s29] =	ssyncadd.s32 $0xFFFFFFFF  }
0xbc: {  	_ =	strace $0x90000048  }
0xbd: {  	_ =	sfence  }
0xbe: {  	s30 =	sld [smem:$0x0];
	_ =	sdelay $0x2  }
0xbf: {  	s31 =	sshll.u32 s1, $0xD;
	s1 =	sshrl.u32 s1, $0x2  }
0xc0: {  	s3 =	sand.u32 $0x4000, s31;
	s1 =	sadd.s32 s1, s30  }
0xc1: {  	s0 =	sor.u32 s3, s0;
	s1 =	sshll.u32 s1, $0x11  }
0xc2: {  	s0 =	sor.u32 s1, s0  }
0xc3: {  	s0 =	sadd.s32 $0x8F2B, s0  }
0xc4: {  	[sflag:s0] =	ssyncadd.remote.s32 $0x1  }
0xc5: {  	_ =	sfence.sel $0xFFFF  }
0xc6: {  	[dreg:$0x0] =	wrdreg $0xFFFFFFFF;
	(pc) =	sbr.abs _section_cstart, $3  }
0xc7: {  	[dreg:$0x1] =	wrdreg $0xFFFFFFFF  }
0xc8: {  	_ =	task.clear_ibuf [dreg:s7], $0x2FFFF;
	_ =	strace $0x9FFFFFFF  }
0xc9: {  	(tm) =	ssettm $0x7FFFFFFF  }
tec
execute0_lowered:
.L_overlay_start_1:
0x0: {  	(tag) =	ssettag $0x1  }
0x1: {  	s0 =	rddreg [dreg:$0x0]  }
0x2: {  	s2 =	rddreg [dreg:$0x1]  }
0x3: {  	s3 =	rddreg [dreg:$0x2]  }
0x4: {  	s1 =	srdreg.scid;
	s12 =	stileid.u32;
	s4 =	simm.s32 $0x0  }
0x5: {  	s31 =	simm.s32 $0x3;
	s1 =	sand.u32 $0x1, s1;
	s5 =	sshll.u32 s12, $0x1  }
0x6: {  	[smem:$0x7FF] =	sst s4;
	s6 =	sadd.s32 $0x1200, s0;
	s7 =	sadd.s32 $0x14C00, s0  }
0x7: {  	s12 =	smul.u32 $0x9C40, s12;
	s5 =	sor.u32 s1, s5;
	s1 =	ssub.s32 $0x2, s1  }
0x8: {  	_ =	strace $0x80000047;
	s5 =	smul.u32 $0x2710, s5;
	s10 =	sshrl.u32 s1, $0x1  }
0x9: {  	s17 =	sadd.s32 $0x1F40, s12;
	s19 =	sshrl.u32 s12, $0x3;
	s22 =	sadd.s32 $0x3E80, s12  }
0xa: {  	s23 =	sadd.s32 s12, s3;
	s0 =	ssub.s32 s1, s10;
	s20 =	sshrl.u32 s17, $0x3  }
0xb: {  	[dreg:$0xb] =	wrdreg s23;
	s24 =	sshrl.u32 s22, $0x3;
	s8 =	sadd.s32 $0x4E200, s5  }
0xc: {  	s11 =	sshrl.u32 s5, $0x3;
	s10 =	sadd.s32 $0xC8, s5;
	s21 =	sadd.s32 s6, s20  }
0xd: {  	s0 =	smax.u32 s0, $0x1;
	s13 =	sshrl.u32 s8, $0x3;
	[dreg:$0xa] =	wrdreg s21  }
0xe: {  	s10 =	sshrl.u32 s10, $0x3;
	[dreg:$0x13] =	wrdreg s0;
	s1 =	sadd.s32 s7, s13  }
0xf: {  	s9 =	sadd.s32 s7, s11;
	s14 =	sadd.s32 s7, s10;
	[dreg:$0x4] =	wrdreg s1  }
0x10: {  	s11 =	sadd.s32 $0x4E2C8, s5;
	s16 =	sadd.s32 $0x32, s9;
	[dreg:$0x5] =	wrdreg s14  }
0x11: {  	s0 =	simm.s32 $0xFA00;
	s18 =	sadd.s32 $0x9C72, s9;
	[dreg:$0x7] =	wrdreg s16  }
0x12: {  	s15 =	sshrl.u32 s11, $0x3;
	s10 =	sadd.s32 s6, s19;
	[dreg:$0x8] =	wrdreg s18  }
0x13: {  	s13 =	sadd.s32 $0x5DC0, s12;
	s11 =	sadd.s32 s6, s24;
	[dreg:$0x9] =	wrdreg s10  }
0x14: {  	s12 =	sadd.s32 $0x7D00, s12;
	s1 =	sadd.s32 s7, s15;
	[dreg:$0xc] =	wrdreg s11  }
0x15: {  	s25 =	sshrl.u32 s13, $0x3;
	s28 =	sshrl.u32 s12, $0x3;
	s10 =	sadd.s32 s22, s3  }
0x16: {  	s29 =	sadd.s32 s13, s3;
	s30 =	sadd.s32 s12, s3;
	[dreg:$0x6] =	wrdreg s1  }
0x17: {  	s11 =	simm.s32 $0x4;
	s12 =	simm.s32 $0x1;
	[dreg:$0xf] =	wrdreg s10  }
0x18: {  	s13 =	simm.s32 $0x2;
	s14 =	simm.s32 $0xC8;
	[dreg:$0x11] =	wrdreg s29  }
0x19: {  	s15 =	simm.s32 $0x130B0;
	s1 =	sadd.s32 s17, s3;
	[dreg:$0x12] =	wrdreg s30  }
0x1a: {  	s16 =	simm.s32 $0x5;
	s26 =	sadd.s32 s6, s25;
	[dreg:$0xd] =	wrdreg s1  }
0x1b: {  	s10 =	simm.s32 $0x6;
	[dreg:$0xe] =	wrdreg s26;
	s1 =	sadd.s32 s6, s28  }
0x1c: {  	vm0 =	vcmask $0x3F3C;
	s17 =	simm.s32 $0x0;
	[dreg:$0x10] =	wrdreg s1;
	s1 =	simm.s32 $0x6400  }
.LBB2_1:
0x1d: {  	s19 =	simm.s32 $0x12C00  }
0x1e: {  	[tilespmem:s19], [sflag:$0x1] =	stream.linear.gather [hbm4b:s9+s4], $0xC8, $0x38;
	[tilespmem:$0x1CE80] =	vst v63  }
0x1f: {  	s18 =	rddreg [dreg:$0x4];
	s20 =	simm.s32 $0x12E58  }
0x20: {  	[tilespmem:s20], [sflag:$0x2] =	stream.linear.gather [hbm4b:s18+s4], $0xC8, $0x38;
	[tilespmem:$0x1CE80] =	vst v63  }
0x21: {  	s28 =	rddreg [dreg:$0x5];
	s22 =	simm.s32 $0x12CC8  }
0x22: {  	[tilespmem:s22], [sflag:$0x1] =	stream.linear.gather [hbm4b:s28+s4], $0xC8, $0x38;
	[tilespmem:$0x1CE80] =	vst v63  }
0x23: {  	s29 =	rddreg [dreg:$0x6];
	s23 =	simm.s32 $0x12F20  }
0x24: {  	[tilespmem:s23], [sflag:$0x2] =	stream.linear.gather [hbm4b:s29+s4], $0xC8, $0x38;
	[tilespmem:$0x1CE80] =	vst v63  }
0x25: {  	s30 =	rddreg [dreg:$0x7];
	s21 =	simm.s32 $0x12D90  }
0x26: {  	[tilespmem:s21], [sflag:$0x1] =	stream.linear.gather [hbm4b:s30+s4], $0xC8, $0x38;
	[tilespmem:$0x1CE80] =	vst v63  }
0x27: {  	s24 =	simm.s32 $0x12FE8;
	s21 =	rddreg [dreg:$0x8]  }
0x28: {  	[tilespmem:s24], [sflag:$0x2] =	stream.linear.gather [hbm4b:s21+s4], $0xC8, $0x38;
	[tilespmem:$0x1CE80] =	vst v63  }
0x29: {  	s25 =	rddreg [dreg:$0x9]  }
0x2a: {  	[tilespmem:s1], [sflag:$0x3] =	stream.linear.gather [hbm4b:s25+s4], $0x1F40, $0x38;
	[tilespmem:$0x1CE80] =	vst v63  }
0x2b: {  	_ =	swait.ge [sflag:s31], $0x1F40  }
0x2c: {  	[sflag:s31] =	ssyncset.done $0x0  }
0x2d: {  	s26 =	rddreg [dreg:$0xa];
	[sflag:s31] =	ssyncadd.s32 $0xFFFFE0C0  }
0x2e: {  	[tilespmem:s0], [sflag:$0x4] =	stream.linear.gather [hbm4b:s26+s4], $0x1F40, $0x38;
	[tilespmem:$0x1CE80] =	vst v63  }
0x2f: {  	s28 =	rddreg [dreg:$0xb]  }
0x30: {  	[spmem:s28] =	stream.linear.scatter [tilespmem:s1], [sflag:$0x6], $0x1F40, $0x38;
	[tilespmem:$0x1CE80] =	vst v63  }
0x31: {  	_ =	swait.ge [sflag:s10], $0x1F40  }
0x32: {  	[sflag:s10] =	ssyncset.done $0x0  }
0x33: {  	[sflag:s10] =	ssyncadd.s32 $0xFFFFE0C0  }
0x34: {  	_ =	swait.ge [sflag:s11], $0x1F40  }
0x35: {  	[sflag:s11] =	ssyncset.done $0x0  }
0x36: {  	s29 =	rddreg [dreg:$0xc];
	[sflag:s11] =	ssyncadd.s32 $0xFFFFE0C0  }
0x37: {  	[tilespmem:s1], [sflag:$0x3] =	stream.linear.gather [hbm4b:s29+s4], $0x1F40, $0x38;
	[tilespmem:$0x1CE80] =	vst v63  }
0x38: {  	s30 =	rddreg [dreg:$0xd]  }
0x39: {  	[spmem:s30] =	stream.linear.scatter [tilespmem:s0], [sflag:$0x6], $0x1F40, $0x38;
	[tilespmem:$0x1CE80] =	vst v63  }
0x3a: {  	_ =	swait.ge [sflag:s10], $0x1F40  }
0x3b: {  	[sflag:s10] =	ssyncset.done $0x0  }
0x3c: {  	[sflag:s10] =	ssyncadd.s32 $0xFFFFE0C0  }
0x3d: {  	_ =	swait.ge [sflag:s31], $0x1F40  }
0x3e: {  	[sflag:s31] =	ssyncset.done $0x0  }
0x3f: {  	s21 =	rddreg [dreg:$0xe];
	[sflag:s31] =	ssyncadd.s32 $0xFFFFE0C0  }
0x40: {  	[tilespmem:s0], [sflag:$0x4] =	stream.linear.gather [hbm4b:s21+s4], $0x1F40, $0x38;
	[tilespmem:$0x1CE80] =	vst v63  }
0x41: {  	s24 =	rddreg [dreg:$0xf]  }
0x42: {  	[spmem:s24] =	stream.linear.scatter [tilespmem:s1], [sflag:$0x6], $0x1F40, $0x38;
	[tilespmem:$0x1CE80] =	vst v63  }
0x43: {  	_ =	swait.ge [sflag:s10], $0x1F40  }
0x44: {  	[sflag:s10] =	ssyncset.done $0x0  }
0x45: {  	[sflag:s10] =	ssyncadd.s32 $0xFFFFE0C0  }
0x46: {  	_ =	swait.ge [sflag:s11], $0x1F40  }
0x47: {  	[sflag:s11] =	ssyncset.done $0x0  }
0x48: {  	s25 =	rddreg [dreg:$0x10];
	[sflag:s11] =	ssyncadd.s32 $0xFFFFE0C0  }
0x49: {  	[tilespmem:s1], [sflag:$0x3] =	stream.linear.gather [hbm4b:s25+s4], $0x1F40, $0x38;
	[tilespmem:$0x1CE80] =	vst v63  }
0x4a: {  	s26 =	rddreg [dreg:$0x11]  }
0x4b: {  	[spmem:s26] =	stream.linear.scatter [tilespmem:s0], [sflag:$0x6], $0x1F40, $0x38;
	[tilespmem:$0x1CE80] =	vst v63  }
0x4c: {  	_ =	swait.ge [sflag:s10], $0x1F40  }
0x4d: {  	[sflag:s10] =	ssyncset.done $0x0  }
0x4e: {  	[sflag:s10] =	ssyncadd.s32 $0xFFFFE0C0  }
0x4f: {  	_ =	swait.ge [sflag:s31], $0x1F40  }
0x50: {  	[sflag:s31] =	ssyncset.done $0x0  }
0x51: {  	s28 =	rddreg [dreg:$0x12];
	[sflag:s31] =	ssyncadd.s32 $0xFFFFE0C0  }
0x52: {  	[spmem:s28] =	stream.linear.scatter [tilespmem:s1], [sflag:$0x6], $0x1F40, $0x38;
	[tilespmem:$0x1CE80] =	vst v63  }
0x53: {  	_ =	swait.ge [sflag:s10], $0x1F40  }
0x54: {  	[sflag:s10] =	ssyncset.done $0x0  }
0x55: {  	[sflag:s10] =	ssyncadd.s32 $0xFFFFE0C0  }
0x56: {  	[bflag:$0x0] =	sbarrier.arrive $0xFFFF  }
0x57: {  	_ =	swait.ge [sflag:s12], $0xC8  }
0x58: {  	[sflag:s12] =	ssyncset.done $0x0  }
0x59: {  	[sflag:s12] =	ssyncadd.s32 $0xFFFFFF38  }
0x5a: {  	_ =	swait.ge [sflag:s13], $0xC8  }
0x5b: {  	[sflag:s13] =	ssyncset.done $0x0  }
0x5c: {  	[sflag:s13] =	ssyncadd.s32 $0xFFFFFF38  }
0x5d: {  	[tilespmem:s4], [sflag:$0x3] =	stream.indirect.gather [hbm4b:s6+s14], $0x40, s19, s14, $0xb8;
	[tilespmem:$0x1CE80] =	vst v63  }
0x5e: {  	s21 =	simm.s32 $0x9600  }
0x5f: {  	[tilespmem:s21], [sflag:$0x4] =	stream.indirect.gather [spmem:s3], $0x40, s20, s14, $0xb8;
	[tilespmem:$0x1CE80] =	vst v63  }
0x60: {  	_ =	swait.ge [sflag:s12], $0xC8  }
0x61: {  	[sflag:s12] =	ssyncset.done $0x0  }
0x62: {  	[sflag:s12] =	ssyncadd.s32 $0xFFFFFF38  }
0x63: {  	_ =	swait.ge [sflag:s13], $0xC8  }
0x64: {  	[sflag:s13] =	ssyncset.done $0x0  }
0x65: {  	s29 =	simm.s32 $0x3200;
	[sflag:s13] =	ssyncadd.s32 $0xFFFFFF38  }
0x66: {  	[tilespmem:s29], [sflag:$0x3] =	stream.indirect.gather [hbm4b:s6+s14], $0x40, s22, s14, $0xb8;
	[tilespmem:$0x1CE80] =	vst v63  }
0x67: {  	s30 =	simm.s32 $0xC800;
	s26 =	simm.s32 $0x0;
	s19 =	simm.s32 $0xF0  }
0x68: {  	[tilespmem:s30], [sflag:$0x4] =	stream.indirect.gather [spmem:s3], $0x40, s23, s14, $0xb8;
	[tilespmem:$0x1CE80] =	vst v63  }
.LBB2_2:
0x69: {  	p0 =	sgt.u32 s26, $0x2F  }
0x6a: {  	s18 =	sadd.s32 @!p0 $0x2, s26  }
0x6b: {  	s20 =	sand.u32 @!p0 $0xFF, s18  }
0x6c: {  	s20 =	smul.u32 @!p0 $0xAB, s20;
	_ =	sdelay $0x1  }
0x6d: {  	s20 =	sshrl.u32 @!p0 s20, $0x9  }
0x6e: {  	s22 =	simm.s32 @!p0 $0x1;
	s20 =	smul.u32 @!p0 $0x3, s20  }
0x6f: {  	_ =	swait.ge @!p0 [sflag:s22], $0xC8  }
0x70: {  	s23 =	smul.u32 $0xAB, s26;
	[sflag:s22] =	ssyncset.done @!p0 $0x0;
	s18 =	ssub.s32 @!p0 s18, s20  }
0x71: {  	[sflag:s22] =	ssyncadd.s32 @!p0 $0xFFFFFF38;
	s20 =	simm.s32 @!p0 $0x2;
	s18 =	sand.u32 @!p0 $0xFF, s18  }
0x72: {  	_ =	swait.ge @!p0 [sflag:s20], $0xC8;
	s22 =	smul.u32 @!p0 $0xC8, s18  }
0x73: {  	[sflag:s20] =	ssyncset.done @!p0 $0x0;
	s18 =	smul.u32 @!p0 $0x3200, s18  }
0x74: {  	[sflag:s20] =	ssyncadd.s32 @!p0 $0xFFFFFF38;
	s20 =	simm.s32 @!p0 $0xC8;
	s28 =	sor.u32 @!p0 $0x12C00, s22  }
0x75: {  	[tilespmem:s18], [sflag:$0x3] =	stream.indirect.gather @!p0 [hbm4b:s6+s20], $0x40, s28, s20, $0xb8;
	[tilespmem:$0x1CE80] =	vst v63  }
0x76: {  	s23 =	sshrl.u32 s23, $0x9;
	s22 =	sadd.s32 @!p0 $0x12E58, s22;
	s18 =	sadd.s32 @!p0 $0x9600, s18  }
0x77: {  	[tilespmem:s18], [sflag:$0x4] =	stream.indirect.gather @!p0 [spmem:s3], $0x40, s22, s20, $0xb8;
	[tilespmem:$0x1CE80] =	vst v63  }
0x78: {  	s24 =	sand.u32 $0x7F, s23;
	s22 =	smulhi.u32 $0xAAAAAAAB, s26  }
0x79: {  	s20 =	smul.u32 $0x3, s24;
	p0 =	sgt.u32 s26, $0x2E;
	_ =	swait.ge [sflag:s31], $0x3200  }
0x7a: {  	s29 =	simm.s32 @!p0 $0x0;
	[sflag:s31] =	ssyncset.done $0x0  }
0x7b: {  	s18 =	sshrl.u32 s22, $0x1;
	s22 =	smul.u32 @!p0 $0xC8, s26;
	s20 =	ssub.s32 s26, s20  }
0x7c: {  	[sflag:s31] =	ssyncadd.s32 $0xFFFFCE00;
	s18 =	smul.u32 $0xFFFDA800, s18;
	s20 =	sand.u32 $0xFF, s20  }
0x7d: {  	_ =	swait.ge [sflag:s11], $0x3200;
	s22 =	sadd.s32 @!p0 $0x258, s22;
	s20 =	smul.u32 @!p0 $0xC8, s20  }
0x7e: {  	[sflag:s11] =	ssyncset.done $0x0;
	s23 =	sadd.s32 @!p0 s5, s22;
	s18 =	sshra.s32 s18, $0x2  }
0x7f: {  	s22 =	sadd.s32 @!p0 s8, s22;
	[sflag:s11] =	ssyncadd.s32 $0xFFFFCE00;
	s23 =	sshrl.u32 @!p0 s23, $0x3;
	v0 =	vmov s18  }
0x80: {  	s28 =	sadd.s32 @!p0 $0x12C00, s20;
	s18 =	sshrl.u32 @!p0 s22, $0x3;
	s23 =	sadd.s32 @!p0 s7, s23  }
0x81: {  	[tilespmem:s28], [sflag:$0x1] =	stream.linear.gather @!p0 [hbm4b:s23+s29], $0xC8, $0x38;
	[tilespmem:$0x1CE80] =	vst v63  }
0x82: {  	s20 =	sadd.s32 @!p0 $0x12E58, s20;
	s18 =	sadd.s32 @!p0 s7, s18  }
0x83: {  	[tilespmem:s20], [sflag:$0x2] =	stream.linear.gather @!p0 [hbm4b:s18+s29], $0xC8, $0x38;
	[tilespmem:$0x1CE80] =	vst v63  }
0x84: {  	v1 =	vld.idx.msk [tilespmem:v0+s19+$0xFFFFFFD0 ss:$0x1], $0xffff  }
0x85: {  	v2 =	vld.idx.msk [tilespmem:v0+s21+$0xC0 ss:$0x1], $0xffff  }
0x86: {  	v3 =	vld.idx.msk [tilespmem:v0+s21+$0x0 ss:$0x1], $0xffff  }
0x87: {  	v4 =	vld.idx.msk [tilespmem:v0+s19+$0xFFFFFF50 ss:$0x1], $0xffff  }
0x88: {  	v5 =	vld.idx.msk [tilespmem:v0+s19+$0xFFFFFFE0 ss:$0x1], $0xffff  }
0x89: {  	v6 =	vld.idx.msk [tilespmem:v0+s21+$0xD0 ss:$0x1], $0xffff  }
0x8a: {  	v7 =	vld.idx.msk [tilespmem:v0+s21+$0x40 ss:$0x1], $0xffff  }
0x8b: {  	v8 =	vld.idx.msk [tilespmem:v0+s19+$0xFFFFFF90 ss:$0x1], $0xffff  }
0x8c: {  	v9 =	vld.idx.msk [tilespmem:v0+s21+$0xE0 ss:$0x1], $0xffff;
	v1 =	vmul.bf16 v2, v1  }
0x8d: {  	v11 =	vld.idx.msk [tilespmem:v0+s21+$0x80 ss:$0x1], $0xffff  }
0x8e: {  	v12 =	vld.idx.msk [tilespmem:v0+s19+$0xFFFFFF10 ss:$0x1], $0xffff;
	v10 =	vunpack.i.l.bf16.f32 v1  }
0x8f: {  	v2 =	vld.idx.msk [tilespmem:v0+s19+$0xFFFFFFF0 ss:$0x1], $0xffff;
	v10 =	vadd.f32 $0.0e+00, v10  }
0x90: {  	v13 =	vld.idx.msk [tilespmem:v0+s19+$0xFFFFFF20 ss:$0x1], $0xffff;
	v5 =	vmul.bf16 v6, v5;
	v1 =	vunpack.i.u.bf16.f32 v1  }
0x91: {  	v15 =	vld.idx.msk [tilespmem:v0+s21+$0x90 ss:$0x1], $0xffff;
	v4 =	vmul.bf16 v7, v4;
	v1 =	vadd.f32 v10, v1  }
0x92: {  	v6 =	vld.idx.msk [tilespmem:v0+s19+$0x0 ss:$0x1], $0xffff;
	v10 =	vunpack.i.l.bf16.f32 v5  }
0x93: {  	v7 =	vld.idx.msk [tilespmem:v0+s21+$0xF0 ss:$0x1], $0xffff;
	v3 =	vmul.bf16 v3, v12;
	v14 =	vunpack.i.u.bf16.f32 v4;
	v1 =	vadd.f32 v10, v1  }
0x94: {  	v12 =	vld.idx.msk [tilespmem:v0+s19+$0xFFFFFFA0 ss:$0x1], $0xffff;
	v4 =	vunpack.i.l.bf16.f32 v4;
	v5 =	vunpack.i.u.bf16.f32 v5;
	v2 =	vmul.bf16 v9, v2  }
0x95: {  	v8 =	vmul.bf16 v11, v8;
	v4 =	vadd.f32 $0.0e+00, v4;
	v10 =	vld.idx.msk [tilespmem:v0+s21+$0x10 ss:$0x1], $0xffff;
	v1 =	vadd.f32 v1, v5  }
0x96: {  	v11 =	vunpack.i.l.bf16.f32 v2  }
0x97: {  	v9 =	vld.idx.msk [tilespmem:v0+s19+$0xFFFFFF60 ss:$0x1], $0xffff;
	v4 =	vadd.f32 v4, v14;
	v14 =	vunpack.i.l.bf16.f32 v8;
	v1 =	vadd.f32 v11, v1  }
0x98: {  	v6 =	vmul.bf16 v7, v6;
	v2 =	vunpack.i.u.bf16.f32 v2;
	v5 =	vld.idx.msk [tilespmem:v0+s21+$0x50 ss:$0x1], $0xffff;
	v11 =	vunpack.i.l.bf16.f32 v3  }
0x99: {  	v12 =	vmul.bf16 v15, v12;
	v15 =	vld.idx.msk [tilespmem:v0+s21+$0xA0 ss:$0x1], $0xffff;
	v7 =	vadd.f32 $0.0e+00, v11;
	v1 =	vadd.f32 v1, v2  }
0x9a: {  	v11 =	vld.idx.msk [tilespmem:v0+s19+$0xFFFFFF30 ss:$0x1], $0xffff;
	v2 =	vmul.bf16 v10, v13;
	v13 =	vadd.f32 $0.0e+00, v14;
	v14 =	vunpack.i.l.bf16.f32 v6  }
0x9b: {  	v3 =	vunpack.i.u.bf16.f32 v3;
	v10 =	vld.idx.msk [tilespmem:v0+s21+$0x20 ss:$0x1], $0xffff;
	v1 =	vadd.f32 v14, v1  }
0x9c: {  	v6 =	vunpack.i.u.bf16.f32 v6;
	v3 =	vadd.f32 v7, v3;
	v7 =	vld.idx.msk [tilespmem:v0+s19+$0xFFFFFF70 ss:$0x1], $0xffff  }
0x9d: {  	v8 =	vunpack.i.u.bf16.f32 v8;
	v5 =	vmul.bf16 v5, v9;
	v9 =	vld.idx.msk [tilespmem:v0+s21+$0x60 ss:$0x1], $0xffff;
	v6 =	vadd.f32 v1, v6  }
0x9e: {  	v8 =	vadd.f32 v13, v8;
	v13 =	vunpack.i.u.bf16.f32 v2;
	v14 =	vld.idx.msk [tilespmem:v0+s19+$0xFFFFFFB0 ss:$0x1], $0xffff;
	v2 =	vunpack.i.l.bf16.f32 v2  }
0x9f: {  	v2 =	vadd.f32 v2, v3;
	v3 =	vunpack.i.l.bf16.f32 v5;
	v5 =	vunpack.i.u.bf16.f32 v5;
	v1 =	vld.idx.msk [tilespmem:v0+s19+$0xFFFFFF40 ss:$0x1], $0xffff;
	(xrf2) =	vadd.scan.msk.f32 $0xffff, v6  }
0xa0: {  	s25 =	sand.u32 $0x1, s26;
	v4 =	vadd.f32 v3, v4;
	v3 =	vld.idx.msk [tilespmem:v0+s21+$0x30 ss:$0x1], $0xffff;
	v10 =	vmul.bf16 v10, v11;
	v11 =	vunpack.i.l.bf16.f32 v12  }
0xa1: {  	p0 =	seq.s32 s25, $0x1;
	s20 =	simm.s32 $0xC8;
	v12 =	vunpack.i.u.bf16.f32 v12;
	v13 =	vadd.f32 v2, v13;
	v2 =	vld.idx.msk [tilespmem:v0+s19+$0xFFFFFF80 ss:$0x1], $0xffff;
	v16 =	vadd.f32 v11, v8  }
0xa2: {  	s20 =	simm.s32 @!p0 $0x0;
	v8 =	vadd.f32 v4, v5;
	v17 =	vmul.bf16 v9, v7;
	v5 =	vld.idx.msk [tilespmem:v0+s21+$0x70 ss:$0x1], $0xffff;
	v11 =	vunpack.i.l.bf16.f32 v10  }
0xa3: {  	s28 =	simm.s32 $0x0;
	s29 =	sadd.s32 $0x100, s19;
	s30 =	sadd.s32 $0xFFFFFFFC, s20;
	v4 =	vld.idx.msk [tilespmem:v0+s19+$0xFFFFFFC0 ss:$0x1], $0xffff;
	v10 =	vunpack.i.u.bf16.f32 v10;
	v11 =	vadd.f32 v11, v13;
	v7 =	vadd.f32 v16, v12  }
0xa4: {  	s18 =	smov.u32 s21;
	s22 =	sadd.s32 $0x4, s30;
	s23 =	sadd.s32 $0x7, s30;
	v6 =	vld.idx.msk [tilespmem:v0+s21+$0xB0 ss:$0x1], $0xffff;
	v9 =	vunpack.i.u.bf16.f32 v17;
	v13 =	vunpack.i.l.bf16.f32 v17;
	v12 =	vmul.bf16 v15, v14  }
.LBB2_3:
0xa5: {  	v14 =	vld.idx.msk [tilespmem:v0+s29+$0xFFFFFFD0 ss:$0x1], $0xffff;
	v10 =	vadd.f32 v11, v10;
	v8 =	vadd.f32 v13, v8;
	s24 =	sadd.s32 $0x5, s30;
	s25 =	sadd.s32 $0x6, s30;
	v11 =	vmov s23;
	s18 =	sadd.s32 $0x100, s18  }
0xa6: {  	v1 =	vmul.bf16 v3, v1;
	s30 =	smov.u32 s28;
	s28 =	sadd.s32 $0x4, s28;
	v13 =	vld.idx.msk [tilespmem:v0+s18+$0xC0 ss:$0x1], $0xffff;
	v3 =	vunpack.i.u.bf16.f32 v12;
	v12 =	vunpack.i.l.bf16.f32 v12  }
0xa7: {  	v16 =	vmov s22;
	p0 =	slt.u32 s28, $0xC4;
	v15 =	vld.idx.msk [tilespmem:v0+s18+$0x0 ss:$0x1], $0xffff;
	v8 =	vadd.f32 v8, v9;
	v17 =	vadd.f32 v12, v7  }
0xa8: {  	v12 =	vunpack.i.u.bf16.f32 v1;
	v1 =	vunpack.i.l.bf16.f32 v1;
	v2 =	vmul.bf16 v5, v2;
	v9 =	vld.idx.msk [tilespmem:v0+s29+$0xFFFFFF50 ss:$0x1], $0xffff  }
0xa9: {  	v1 =	vadd.f32 v1, v10;
	v10 =	vmov s24;
	v5 =	vld.idx.msk [tilespmem:v0+s29+$0xFFFFFFE0 ss:$0x1], $0xffff;
	v3 =	vadd.f32 v17, v3;
	v7, _, _ =	vpop (xrf2)  }
0xaa: {  	v18 =	vunpack.i.u.bf16.f32 v2;
	v2 =	vunpack.i.l.bf16.f32 v2;
	v4 =	vmul.bf16 v6, v4;
	v17 =	vld.idx.msk [tilespmem:v0+s18+$0xD0 ss:$0x1], $0xffff;
	[tilespmem:v11+s15+$0x0] =	vst.idx.msk vm0, v7  }
0xab: {  	v1 =	vadd.f32 v1, v12;
	v2 =	vadd.f32 v2, v8;
	v7 =	vmov s25;
	v6 =	vld.idx.msk [tilespmem:v0+s18+$0x40 ss:$0x1], $0xffff  }
0xac: {  	v11 =	vmul.bf16 v13, v14;
	v12 =	vunpack.i.u.bf16.f32 v4;
	v4 =	vunpack.i.l.bf16.f32 v4;
	v8 =	vld.idx.msk [tilespmem:v0+s29+$0xFFFFFF90 ss:$0x1], $0xffff  }
0xad: {  	v14 =	vand.u32 $0xFFFFFFFC, v16;
	v2 =	vadd.f32 v2, v18;
	v3 =	vadd.f32 v4, v3;
	v13 =	vld.idx.msk [tilespmem:v0+s29+$0xFFFFFFF0 ss:$0x1], $0xffff;
	(xrf2) =	vadd.scan.msk.f32 $0xffff, v1  }
0xae: {  	v10 =	vand.u32 $0xFFFFFFFD, v10;
	v7 =	vand.u32 $0xFFFFFFFE, v7;
	v1 =	vunpack.i.l.bf16.f32 v11;
	v4 =	vld.idx.msk [tilespmem:v0+s18+$0xE0 ss:$0x1], $0xffff  }
0xaf: {  	v14 =	vbroadcast v14, $0x0;
	v1 =	vadd.f32 $0.0e+00, v1;
	v3 =	vadd.f32 v3, v12;
	v16 =	vld.idx.msk [tilespmem:v0+s18+$0x80 ss:$0x1], $0xffff  }
0xb0: {  	v10 =	vbroadcast v10, $0x0;
	v11 =	vunpack.i.u.bf16.f32 v11;
	v5 =	vmul.bf16 v17, v5;
	v12 =	vld.idx.msk [tilespmem:v0+s29+$0xFFFFFF10 ss:$0x1], $0xffff;
	(xrf2) =	vadd.scan.msk.f32 $0xffff, v2  }
0xb1: {  	v7 =	vbroadcast v7, $0x0;
	v2 =	vmul.bf16 v6, v9;
	v1 =	vadd.f32 v1, v11;
	v6 =	vld.idx.msk [tilespmem:v0+s29+$0x0 ss:$0x1], $0xffff  }
0xb2: {  	v9 =	vunpack.i.l.bf16.f32 v5;
	v11 =	vld.idx.msk [tilespmem:v0+s18+$0xF0 ss:$0x1], $0xffff  }
0xb3: {  	v18 =	vunpack.i.u.bf16.f32 v2;
	v2 =	vunpack.i.l.bf16.f32 v2;
	v1 =	vadd.f32 v9, v1;
	v17 =	vld.idx.msk [tilespmem:v0+s29+$0xFFFFFF20 ss:$0x1], $0xffff;
	(xrf2) =	vadd.scan.msk.f32 $0xffff, v3  }
0xb4: {  	v5 =	vunpack.i.u.bf16.f32 v5;
	v2 =	vadd.f32 $0.0e+00, v2;
	v4 =	vmul.bf16 v4, v13;
	v3 =	vld.idx.msk [tilespmem:v0+s18+$0x10 ss:$0x1], $0xffff  }
0xb5: {  	v8 =	vmul.bf16 v16, v8;
	v1 =	vadd.f32 v1, v5;
	v9 =	vld.idx.msk [tilespmem:v0+s29+$0xFFFFFF60 ss:$0x1], $0xffff  }
0xb6: {  	v5 =	vmul.bf16 v15, v12;
	v2 =	vadd.f32 v2, v18;
	v18 =	vunpack.i.l.bf16.f32 v4;
	v12 =	vld.idx.msk [tilespmem:v0+s18+$0x50 ss:$0x1], $0xffff  }
0xb7: {  	v15 =	vunpack.i.u.bf16.f32 v8;
	v8 =	vunpack.i.l.bf16.f32 v8;
	v1 =	vadd.f32 v18, v1;
	v16 =	vld.idx.msk [tilespmem:v0+s29+$0xFFFFFFA0 ss:$0x1], $0xffff;
	v13, _, _ =	vpop (xrf2)  }
0xb8: {  	v4 =	vunpack.i.u.bf16.f32 v4;
	v18 =	vunpack.i.l.bf16.f32 v5;
	v6 =	vmul.bf16 v11, v6;
	v19 =	vld.idx.msk [tilespmem:v0+s18+$0x90 ss:$0x1], $0xffff;
	[tilespmem:v14+s15+$0x0] =	vst.idx.msk vm0, v13  }
0xb9: {  	v5 =	vunpack.i.u.bf16.f32 v5;
	v11 =	vadd.f32 $0.0e+00, v18;
	v1 =	vadd.f32 v1, v4;
	v13 =	vld.idx.msk [tilespmem:v0+s29+$0xFFFFFF30 ss:$0x1], $0xffff  }
0xba: {  	v8 =	vadd.f32 $0.0e+00, v8;
	v3 =	vmul.bf16 v3, v17;
	v14 =	vunpack.i.l.bf16.f32 v6;
	v4 =	vld.idx.msk [tilespmem:v0+s18+$0x20 ss:$0x1], $0xffff;
	v17, _, _ =	vpop (xrf2)  }
0xbb: {  	v5 =	vadd.f32 v11, v5;
	v1 =	vadd.f32 v14, v1;
	v11 =	vld.idx.msk [tilespmem:v0+s29+$0xFFFFFF70 ss:$0x1], $0xffff;
	[tilespmem:v10+s15+$0x0] =	vst.idx.msk vm0, v17  }
0xbc: {  	v8 =	vadd.f32 v8, v15;
	v6 =	vunpack.i.u.bf16.f32 v6;
	v9 =	vmul.bf16 v12, v9;
	v10 =	vld.idx.msk [tilespmem:v0+s18+$0x60 ss:$0x1], $0xffff  }
0xbd: {  	v12 =	vunpack.i.u.bf16.f32 v3;
	v3 =	vunpack.i.l.bf16.f32 v3;
	v6 =	vadd.f32 v1, v6;
	v14 =	vld.idx.msk [tilespmem:v0+s29+$0xFFFFFFB0 ss:$0x1], $0xffff;
	v15, _, _ =	vpop (xrf2)  }
0xbe: {  	v5 =	vadd.f32 v3, v5;
	v3 =	vunpack.i.l.bf16.f32 v9;
	v16 =	vmul.bf16 v19, v16;
	v17 =	vld.idx.msk [tilespmem:v0+s18+$0xA0 ss:$0x1], $0xffff  }
0xbf: {  	v9 =	vunpack.i.u.bf16.f32 v9;
	v18 =	vadd.f32 v3, v2;
	v1 =	vld.idx.msk [tilespmem:v0+s29+$0xFFFFFF40 ss:$0x1], $0xffff;
	(xrf2) =	vadd.scan.msk.f32 $0xffff, v6;
	[tilespmem:v7+s15+$0x0] =	vst.idx.msk vm0, v15  }
.Ltmp0:
0xc0: {  	v4 =	vmul.bf16 v4, v13;
	v6 =	vunpack.i.u.bf16.f32 v16;
	v7 =	vunpack.i.l.bf16.f32 v16;
	v3 =	vld.idx.msk [tilespmem:v0+s18+$0x30 ss:$0x1], $0xffff;
	(pc) =	sbr.rel @p0 .LBB2_3-.Ltmp0, $4  }
0xc1: {  	v12 =	vadd.f32 v5, v12;
	v7 =	vadd.f32 v7, v8;
	v2 =	vld.idx.msk [tilespmem:v0+s29+$0xFFFFFF80 ss:$0x1], $0xffff  }
0xc2: {  	v8 =	vadd.f32 v18, v9;
	v13 =	vunpack.i.l.bf16.f32 v4;
	v15 =	vmul.bf16 v10, v11;
	v5 =	vld.idx.msk [tilespmem:v0+s18+$0x70 ss:$0x1], $0xffff  }
0xc3: {  	s30 =	sadd.s32 s30, s20;
	v10 =	vunpack.i.u.bf16.f32 v4;
	v11 =	vadd.f32 v13, v12;
	v7 =	vadd.f32 v7, v6;
	v4 =	vld.idx.msk [tilespmem:v0+s29+$0xFFFFFFC0 ss:$0x1], $0xffff  }
0xc4: {  	s22 =	sadd.s32 $0x4, s30;
	s23 =	sadd.s32 $0x7, s30;
	v9 =	vunpack.i.u.bf16.f32 v15;
	v13 =	vunpack.i.l.bf16.f32 v15;
	v12 =	vmul.bf16 v17, v14;
	s29 =	sadd.s32 $0x100, s29;
	v6 =	vld.idx.msk [tilespmem:v0+s18+$0xB0 ss:$0x1], $0xffff  }
0xc5: {  	_ = 	snop  }
0xc6: {  	v0 =	vadd.f32 v11, v10  }
0xc7: {  	v8 =	vadd.f32 v13, v8;
	v1 =	vmul.bf16 v3, v1;
	v47 =	vunpack.i.l.bf16.f32 v12  }
0xc8: {  	v48 =	vunpack.i.u.bf16.f32 v12;
	v3 =	vadd.f32 v47, v7;
	v2 =	vmul.bf16 v5, v2  }
0xc9: {  	v49 =	vadd.f32 v8, v9;
	v50 =	vunpack.i.l.bf16.f32 v1;
	v4 =	vmul.bf16 v6, v4  }
0xca: {  	v0 =	vadd.f32 v50, v0;
	v3 =	vadd.f32 v3, v48;
	v51 =	vunpack.i.l.bf16.f32 v2  }
0xcb: {  	v1 =	vunpack.i.u.bf16.f32 v1;
	v5 =	vadd.f32 v51, v49;
	v52 =	vunpack.i.l.bf16.f32 v4  }
0xcc: {  	v2 =	vunpack.i.u.bf16.f32 v2;
	v0 =	vadd.f32 v0, v1;
	v53 =	vadd.f32 v52, v3  }
0xcd: {  	v54 =	vunpack.i.u.bf16.f32 v4;
	v2 =	vadd.f32 v5, v2  }
0xce: {  	(xrf2) =	vadd.scan.msk.f32 $0xffff, v0;
	v55 =	vadd.f32 v53, v54  }
0xcf: {  	(xrf2) =	vadd.scan.msk.f32 $0xffff, v2  }
0xd0: {  	(xrf2) =	vadd.scan.msk.f32 $0xffff, v55  }
0xd1: {  	s18 =	sadd.s32 $0x5, s30;
	v56 =	vmov s22  }
0xd2: {  	s29 =	sadd.s32 $0x6, s30;
	v57 =	vmov s23;
	v58 =	vmov s18;
	v0 =	vand.u32 $0xFFFFFFFC, v56  }
0xd3: {  	v59 =	vmov s29;
	v0 =	vbroadcast v0, $0x0;
	v2 =	vand.u32 $0xFFFFFFFD, v58  }
0xd4: {  	v3 =	vand.u32 $0xFFFFFFFE, v59;
	v2 =	vbroadcast v2, $0x0  }
0xd5: {  	v3 =	vbroadcast v3, $0x0;
	_ =	sdelay $0x1  }
0xd6: {  	v60, _, _ =	vpop (xrf2)  }
0xd7: {  	[tilespmem:v57+s15+$0x0] =	vst.idx.msk vm0, v60;
	v61, _, _ =	vpop (xrf2)  }
0xd8: {  	[tilespmem:v0+s15+$0x0] =	vst.idx.msk vm0, v61;
	v62, _, _ =	vpop (xrf2)  }
0xd9: {  	p0 =	seq.s32 s26, $0x0;
	[tilespmem:v2+s15+$0x0] =	vst.idx.msk vm0, v62;
	v63, _, _ =	vpop (xrf2)  }
0xda: {  	s22 =	simm.s32 @!p0 $0x5;
	[tilespmem:v3+s15+$0x0] =	vst.idx.msk vm0, v63  }
0xdb: {  	_ =	swait.ge @!p0 [sflag:s22], $0xC8  }
0xdc: {  	s30 =	smul.u32 $0xC8, s26;
	s26 =	sadd.s32 $0x1, s26;
	[sflag:s22] =	ssyncset.done @!p0 $0x0  }
0xdd: {  	[sflag:s22] =	ssyncadd.s32 @!p0 $0xFFFFFF38;
	p0 =	sne.s32 s26, $0x32  }
.Ltmp1:
0xde: {  	_ = 	snop;
	(pc) =	sbr.rel @p0 .LBB2_2-.Ltmp1, $4  }
0xdf: {  	s18 =	sadd.s32 s5, s30  }
0xe0: {  	s20 =	sadd.s32 $0x130B0, s20;
	s18 =	sshrl.u32 s18, $0x3  }
0xe1: {  	s21 =	sadd.s32 $0x3200, s21;
	s19 =	sadd.s32 $0x3200, s19;
	s18 =	sadd.s32 s2, s18  }
0xe2: {  	[hbm4b:s18+s4] =	stream.linear.scatter [tilespmem:s20], [sflag:$0x5], $0xC8, $0x38;
	[tilespmem:$0x1CE80] =	vst v63  }
0xe3: {  	_ =	swait.ge [sflag:s16], $0xC8  }
0xe4: {  	s17 =	sadd.s32 $0x1, s17;
	s18 =	rddreg [dreg:$0x13]  }
0xe5: {  	p0 =	sne.s32 s17, s18  }
.Ltmp2:
0xe6: {  	_ = 	snop;
	(pc) =	sbr.rel @p0 .LBB2_1-.Ltmp2, $3  }
0xe7: {  	_ =	sdelay $0x1  }
0xe8: {  	[sflag:s16] =	ssyncset.done $0x0  }
0xe9: {  	[sflag:s16] =	ssyncadd.s32 $0xFFFFFF38  }
0xea: {  	_ =	sfence.sel $0x180000  }
0xeb: {  	[bflag:$0x0] =	sbarrier.arrive $0xFFFF  }
0xec: {  	_ =	strace $0x90000047  }
0xed: {  	s0 =	stileid.u32;
	[bflag:$0x2] =	sbarrier.arrive $0xFFFF  }
0xee: {  	p0 =	sne.s32 s0, $0x0;
	s0 =	rddreg [dreg:$0x3]  }
0xef: {  	s0 =	sadd.s32 @!p0 $0x100000, s0  }
0xf0: {  	[sflag:s0] =	ssyncadd.tile.s32 @!p0 $0x1;
	_ =	shalt  }
.Lfunc_end2:
_tile_overlayer_lowered:
.L_overlay_start_2:
0xf1: {  	(tag) =	ssettag $0x2  }
0xf2: {  	s0 =	rddreg [dreg:$0x0];
	s2 =	stileid.u32  }
0xf3: {  	s1 =	rddreg [dreg:$0x1];
	p0 =	sne.s32 s2, $0x0  }
0xf4: {  	s3 =	rddreg [dreg:$0x2];
	[bflag:$0x3] =	sbarrier.arrive $0xFFFF;
	s2 =	simm.s32 @!p0 $0x1C06  }
0xf5: {  	[timem:s3], [sflag:s2] =	dma.local @!p0 [hbm:s0], s1  }
0xf6: {  	s0 =	simm.s32 @!p0 $0x6  }
0xf7: {  	_ =	swait.ge @!p0 [sflag:s0], s1  }
0xf8: {  	s1 =	ssub.s32 @!p0 $0x0, s1;
	[sflag:s0] =	ssyncset.done @!p0 $0x0  }
0xf9: {  	[sflag:s0] =	ssyncadd.s32 @!p0 s1  }
0xfa: {  	[bflag:$0x3] =	sbarrier.arrive $0xFFFF  }
0xfb: {  	_ =	shalt  }

</sc_bundles>
